<compile_context>
chip_gen: v7x
topology: tpu7x:2x2x1
jax: 0.10.2.dev20260603
libtpu: 0.0.44.dev20260713+nightly
codegen_flags: <defaults>
</compile_context>

<pallas_src>
import functools

import jax
import jax.numpy as jnp
from jax import lax
from jax.experimental import pallas as pl
from jax.experimental.pallas import tpu as pltpu
from jax.experimental.pallas import tpu_sc as plsc

NUM_CORES = 2
NUM_SUBCORES = 16
NUM_WORKERS = NUM_CORES * NUM_SUBCORES

NUM_ROWS = 100000
BATCH = 16384
EMBED_DIM = 64
ROW_PAD = 2 * EMBED_DIM
SPLIT = 1
B_SPLIT = BATCH // SPLIT
B_PER_W = B_SPLIT // NUM_WORKERS
CHUNK = 128
NCHUNK = B_PER_W // CHUNK

TR_BLK = 14336
MLP_BLK = 8192


def _transpose_body(ut_t, it_t, e1_ref, e2_ref, tp):
    dn = (((0,), (0,)), ((), ()))
    u = lax.dot_general(ut_t[...], e1_ref[...], dn, preferred_element_type=jnp.float32)
    i = lax.dot_general(it_t[...], e2_ref[...], dn, preferred_element_type=jnp.float32)
    tp[...] = u + i


def _tc_transpose(user_table_t, item_table_t, e1, e2):
    grid = (pl.cdiv(NUM_ROWS, TR_BLK),)
    return pl.pallas_call(
        _transpose_body,
        grid=grid,
        in_specs=[
            pl.BlockSpec((EMBED_DIM, TR_BLK), lambda i: (0, i)),
            pl.BlockSpec((EMBED_DIM, TR_BLK), lambda i: (0, i)),
            pl.BlockSpec((EMBED_DIM, ROW_PAD), lambda i: (0, 0)),
            pl.BlockSpec((EMBED_DIM, ROW_PAD), lambda i: (0, 0)),
        ],
        out_specs=pl.BlockSpec((TR_BLK, ROW_PAD), lambda i: (i, 0)),
        out_shape=jax.ShapeDtypeStruct((NUM_ROWS, ROW_PAD), jnp.float32),
        compiler_params=pltpu.CompilerParams(
            vmem_limit_bytes=100 * 1024 * 1024,
        ),
    )(user_table_t, item_table_t, e1, e2)


def _gather_body(tp, uid_r, iid_r, x, uidx, iidx, urows, irows, sem):
    wid = lax.axis_index("s") * NUM_CORES + lax.axis_index("c")
    base = wid * B_PER_W

    pltpu.sync_copy(uid_r.at[wid], uidx)
    pltpu.sync_copy(iid_r.at[wid], iidx)

    def start(j):
        return (
            pltpu.async_copy(tp.at[uidx.at[j]], urows.at[j % 2], sem),
            pltpu.async_copy(tp.at[iidx.at[j]], irows.at[j % 2], sem),
        )

    pending = start(0)
    for j in range(NCHUNK):
        nxt = start(j + 1) if j + 1 < NCHUNK else None
        for c in pending:
            c.wait()
        row0 = base + j * CHUNK
        pltpu.sync_copy(
            urows.at[j % 2, :, pl.ds(0, EMBED_DIM)],
            x.at[pl.ds(row0, CHUNK), pl.ds(0, EMBED_DIM)],
        )
        pltpu.sync_copy(
            irows.at[j % 2, :, pl.ds(EMBED_DIM, EMBED_DIM)],
            x.at[pl.ds(row0, CHUNK), pl.ds(EMBED_DIM, EMBED_DIM)],
        )
        pending = nxt


def _sc_gather(tp, uid_r, iid_r):
    mesh = plsc.VectorSubcoreMesh(
        core_axis_name="c",
        subcore_axis_name="s",
        num_cores=NUM_CORES,
        num_subcores=NUM_SUBCORES,
    )
    f = pl.kernel(
        _gather_body,
        out_type=jax.ShapeDtypeStruct((B_SPLIT, ROW_PAD), jnp.float32),
        mesh=mesh,
        scratch_types=[
            pltpu.VMEM((NCHUNK, CHUNK), jnp.int32),
            pltpu.VMEM((NCHUNK, CHUNK), jnp.int32),
            pltpu.VMEM((2, CHUNK, ROW_PAD), jnp.float32),
            pltpu.VMEM((2, CHUNK, ROW_PAD), jnp.float32),
            pltpu.SemaphoreType.DMA,
        ],
        compiler_params=pltpu.CompilerParams(use_tc_tiling_on_sc=False),
    )
    return f(tp, uid_r, iid_r)


def _mlp_body(x_ref, w1_ref, b1_ref, w2_ref, b2_ref, w3_ref, b3_ref, o_ref):
    dn = (((1,), (1,)), ((), ()))
    h = lax.dot_general(x_ref[...], w1_ref[...], dn, preferred_element_type=jnp.float32)
    h = jnp.maximum(h + b1_ref[...], 0.0)
    h = lax.dot_general(h, w2_ref[...], dn, preferred_element_type=jnp.float32)
    h = jnp.maximum(h + b2_ref[...], 0.0)
    o = jnp.sum(h * w3_ref[...], axis=1, keepdims=True)
    o_ref[...] = o + b3_ref[0]


def _tc_mlp(x, W1, b1, W2, b2, W3, b3):
    grid = (B_SPLIT // MLP_BLK,)
    full = lambda shape: pl.BlockSpec(shape, lambda i: (0, 0))
    return pl.pallas_call(
        _mlp_body,
        grid=grid,
        in_specs=[
            pl.BlockSpec((MLP_BLK, ROW_PAD), lambda i: (i, 0)),
            full(W1.shape),
            full(b1.shape),
            full(W2.shape),
            full(b2.shape),
            full(W3.shape),
            pl.BlockSpec(memory_space=pltpu.SMEM),
        ],
        out_specs=pl.BlockSpec((MLP_BLK, 1), lambda i: (i, 0)),
        out_shape=jax.ShapeDtypeStruct((B_SPLIT, 1), jnp.float32),
    )(x, W1, b1, W2, b2, W3, b3)


@jax.jit
def kernel(user_id, item_id, user_table, item_table, W1, b1, W2, b2, W3, b3):
    uid_r = user_id.astype(jnp.int32).reshape(SPLIT, NUM_WORKERS, NCHUNK, CHUNK)
    iid_r = item_id.astype(jnp.int32).reshape(SPLIT, NUM_WORKERS, NCHUNK, CHUNK)
    e1 = jnp.eye(EMBED_DIM, ROW_PAD, dtype=jnp.float32)
    e2 = jnp.eye(EMBED_DIM, ROW_PAD, k=EMBED_DIM, dtype=jnp.float32)
    tp = _tc_transpose(user_table.T, item_table.T, e1, e2)
    outs = []
    for h in range(SPLIT):
        x = _sc_gather(tp, uid_r[h], iid_r[h])
        outs.append(
            _tc_mlp(x, W1, b1.reshape(1, -1), W2, b2.reshape(1, -1), W3, b3)
        )
    return jnp.concatenate(outs, axis=0)

# --- scband reference (transcript-rebuilt; emitter-appended) ---
"""Pipeline reference for scband-nnmf-89481348645702 (READ-ONLY COPY).

The authoritative reference and input builder live on the scoring server;
editing this copy changes nothing except your own understanding.
"""

import jax, jax.numpy as jnp
import numpy as np

NUM_USERS = 100000
NUM_ITEMS = 100000
EMBED_DIM = 64
BATCH = 16384


def setup_inputs(seed: int = 0) -> dict:
    key = jax.random.key(seed)
    ks = jax.random.split(key, 12)
    user_id = jax.random.randint(ks[0], (BATCH,), 0, NUM_USERS, dtype=jnp.int64 if jax.config.read('jax_enable_x64') else jnp.int32)
    item_id = jax.random.randint(ks[1], (BATCH,), 0, NUM_ITEMS, dtype=jnp.int64 if jax.config.read('jax_enable_x64') else jnp.int32)
    user_table = jax.random.normal(ks[2], (NUM_USERS, EMBED_DIM), dtype=jnp.float32)
    item_table = jax.random.normal(ks[3], (NUM_ITEMS, EMBED_DIM), dtype=jnp.float32)
    # fc1: Linear(2*EMBED_DIM, 128), fc2: Linear(128, 64), fc3: Linear(64, 1)
    s1 = 1.0 / np.sqrt(2 * EMBED_DIM)
    s2 = 1.0 / np.sqrt(128)
    s3 = 1.0 / np.sqrt(64)
    W1 = jax.random.uniform(ks[4], (128, 2 * EMBED_DIM), dtype=jnp.float32, minval=-s1, maxval=s1)
    b1 = jax.random.uniform(ks[5], (128,), dtype=jnp.float32, minval=-s1, maxval=s1)
    W2 = jax.random.uniform(ks[6], (64, 128), dtype=jnp.float32, minval=-s2, maxval=s2)
    b2 = jax.random.uniform(ks[7], (64,), dtype=jnp.float32, minval=-s2, maxval=s2)
    W3 = jax.random.uniform(ks[8], (1, 64), dtype=jnp.float32, minval=-s3, maxval=s3)
    b3 = jax.random.uniform(ks[9], (1,), dtype=jnp.float32, minval=-s3, maxval=s3)
    return {
        'user_id': user_id,
        'item_id': item_id,
        'user_table': user_table,
        'item_table': item_table,
        'W1': W1, 'b1': b1,
        'W2': W2, 'b2': b2,
        'W3': W3, 'b3': b3,
    }


def reference(user_id, item_id, user_table, item_table, W1, b1, W2, b2, W3, b3):
    user_emb = jnp.take(user_table, user_id, axis=0)
    item_emb = jnp.take(item_table, item_id, axis=0)
    x = jnp.concatenate([user_emb, item_emb], axis=-1)
    x = jax.nn.relu(x @ W1.T + b1)
    x = jax.nn.relu(x @ W2.T + b2)
    rating_pred = x @ W3.T + b3
    return rating_pred

if __name__ == "__main__":
    import jax
    _d = setup_inputs()
    print(jax.jit(kernel)(*tuple(_d.values())))

</pallas_src>

<mosaic_0001>
#map = affine_map<(d0, d1) -> (0, 0)>
#map1 = affine_map<(d0, d1) -> (0, 0, 0)>
module attributes {stable_mosaic.version = 14 : i64} {
  func.func @_gather_body(%arg0: i32, %arg1: i32, %arg2: memref<100000x128xf32, #tpu.memory_space<hbm>>, %arg3: memref<32x4x128xi32, #tpu.memory_space<hbm>>, %arg4: memref<32x4x128xi32, #tpu.memory_space<hbm>>, %arg5: memref<16384x128xf32, #tpu.memory_space<hbm>>, %arg6: memref<4x128xi32, #tpu.memory_space<vmem>>, %arg7: memref<4x128xi32, #tpu.memory_space<vmem>>, %arg8: memref<2x128x128xf32, #tpu.memory_space<vmem>>, %arg9: memref<2x128x128xf32, #tpu.memory_space<vmem>>, %arg10: memref<!tpu.dma_semaphore, #tpu.memory_space<semaphore_mem>>) attributes {dimension_semantics = [#tpu.dimension_semantics<core_parallel>, #tpu.dimension_semantics<subcore_parallel>], iteration_bounds = array<i64: 2, 16>, scalar_prefetch = 0 : i64, scratch_operands = 5 : i64, tpu.core_type = #tpu.core_type<sc_vector_subcore>, window_params = [{transform_indices = #map}, {transform_indices = #map1}, {transform_indices = #map1}, {transform_indices = #map}]} {
    %mul3A = arith.constant 2 : i32
    %mul3A_0 = arith.muli %arg1, %mul3A : i32
    %add3A = arith.addi %mul3A_0, %arg0 : i32
    %mul3A_1 = arith.constant 512 : i32
    %mul3A_2 = arith.muli %add3A, %mul3A_1 : i32
    "tpu.region"() ({
      %run_scoped3A_208 = tpu.sem_alloc : memref<!tpu.dma_semaphore, #tpu.memory_space<semaphore_mem>>
      %dma_start3A_209 = arith.constant 0 : i32
      %dma_start3A_210 = arith.constant 0 : i32
      %dma_start3A_211 = tpu.memref_slice %arg3[%add3A, %dma_start3A_209, %dma_start3A_210] : memref<32x4x128xi32, #tpu.memory_space<hbm>> -> memref<1x4x128xi32, #tpu.memory_space<hbm>>
      %dma_start3A_212 = tpu.memref_squeeze %dma_start3A_211 : memref<1x4x128xi32, #tpu.memory_space<hbm>> -> memref<4x128xi32, #tpu.memory_space<hbm>>
      %dma_start3A_213 = arith.constant 0 : i32
      %dma_start3A_214 = arith.constant 0 : i32
      %dma_start3A_215 = tpu.memref_slice %arg3[%add3A, %dma_start3A_213, %dma_start3A_214] : memref<32x4x128xi32, #tpu.memory_space<hbm>> -> memref<1x4x128xi32, #tpu.memory_space<hbm>>
      %dma_start3A_216 = tpu.memref_squeeze %dma_start3A_215 : memref<1x4x128xi32, #tpu.memory_space<hbm>> -> memref<4x128xi32, #tpu.memory_space<hbm>>
      tpu.enqueue_dma source(%dma_start3A_216 : memref<4x128xi32, #tpu.memory_space<hbm>>) target(%arg6 : memref<4x128xi32, #tpu.memory_space<vmem>>) target_semaphore(%run_scoped3A_208 : memref<!tpu.dma_semaphore, #tpu.memory_space<semaphore_mem>>)
      %dma_wait3A_217 = arith.constant 0 : i32
      %dma_wait3A_218 = arith.constant 0 : i32
      %dma_wait3A_219 = tpu.memref_slice %arg3[%add3A, %dma_wait3A_217, %dma_wait3A_218] : memref<32x4x128xi32, #tpu.memory_space<hbm>> -> memref<1x4x128xi32, #tpu.memory_space<hbm>>
      %dma_wait3A_220 = tpu.memref_squeeze %dma_wait3A_219 : memref<1x4x128xi32, #tpu.memory_space<hbm>> -> memref<4x128xi32, #tpu.memory_space<hbm>>
      %dma_wait3A_221 = arith.constant 0 : i32
      %dma_wait3A_222 = arith.constant 0 : i32
      %dma_wait3A_223 = tpu.memref_slice %arg3[%add3A, %dma_wait3A_221, %dma_wait3A_222] : memref<32x4x128xi32, #tpu.memory_space<hbm>> -> memref<1x4x128xi32, #tpu.memory_space<hbm>>
      %dma_wait3A_224 = tpu.memref_squeeze %dma_wait3A_223 : memref<1x4x128xi32, #tpu.memory_space<hbm>> -> memref<4x128xi32, #tpu.memory_space<hbm>>
      tpu.wait_dma2 semaphore(%run_scoped3A_208 : memref<!tpu.dma_semaphore, #tpu.memory_space<semaphore_mem>>) src(%dma_wait3A_224 : memref<4x128xi32, #tpu.memory_space<hbm>>) dst(%arg6 : memref<4x128xi32, #tpu.memory_space<vmem>>)
      tpu.yield
    }) : () -> ()
    "tpu.region"() ({
      %run_scoped3A_208 = tpu.sem_alloc : memref<!tpu.dma_semaphore, #tpu.memory_space<semaphore_mem>>
      %dma_start3A_209 = arith.constant 0 : i32
      %dma_start3A_210 = arith.constant 0 : i32
      %dma_start3A_211 = tpu.memref_slice %arg4[%add3A, %dma_start3A_209, %dma_start3A_210] : memref<32x4x128xi32, #tpu.memory_space<hbm>> -> memref<1x4x128xi32, #tpu.memory_space<hbm>>
      %dma_start3A_212 = tpu.memref_squeeze %dma_start3A_211 : memref<1x4x128xi32, #tpu.memory_space<hbm>> -> memref<4x128xi32, #tpu.memory_space<hbm>>
      %dma_start3A_213 = arith.constant 0 : i32
      %dma_start3A_214 = arith.constant 0 : i32
      %dma_start3A_215 = tpu.memref_slice %arg4[%add3A, %dma_start3A_213, %dma_start3A_214] : memref<32x4x128xi32, #tpu.memory_space<hbm>> -> memref<1x4x128xi32, #tpu.memory_space<hbm>>
      %dma_start3A_216 = tpu.memref_squeeze %dma_start3A_215 : memref<1x4x128xi32, #tpu.memory_space<hbm>> -> memref<4x128xi32, #tpu.memory_space<hbm>>
      tpu.enqueue_dma source(%dma_start3A_216 : memref<4x128xi32, #tpu.memory_space<hbm>>) target(%arg7 : memref<4x128xi32, #tpu.memory_space<vmem>>) target_semaphore(%run_scoped3A_208 : memref<!tpu.dma_semaphore, #tpu.memory_space<semaphore_mem>>)
      %dma_wait3A_217 = arith.constant 0 : i32
      %dma_wait3A_218 = arith.constant 0 : i32
      %dma_wait3A_219 = tpu.memref_slice %arg4[%add3A, %dma_wait3A_217, %dma_wait3A_218] : memref<32x4x128xi32, #tpu.memory_space<hbm>> -> memref<1x4x128xi32, #tpu.memory_space<hbm>>
      %dma_wait3A_220 = tpu.memref_squeeze %dma_wait3A_219 : memref<1x4x128xi32, #tpu.memory_space<hbm>> -> memref<4x128xi32, #tpu.memory_space<hbm>>
      %dma_wait3A_221 = arith.constant 0 : i32
      %dma_wait3A_222 = arith.constant 0 : i32
      %dma_wait3A_223 = tpu.memref_slice %arg4[%add3A, %dma_wait3A_221, %dma_wait3A_222] : memref<32x4x128xi32, #tpu.memory_space<hbm>> -> memref<1x4x128xi32, #tpu.memory_space<hbm>>
      %dma_wait3A_224 = tpu.memref_squeeze %dma_wait3A_223 : memref<1x4x128xi32, #tpu.memory_space<hbm>> -> memref<4x128xi32, #tpu.memory_space<hbm>>
      tpu.wait_dma2 semaphore(%run_scoped3A_208 : memref<!tpu.dma_semaphore, #tpu.memory_space<semaphore_mem>>) src(%dma_wait3A_224 : memref<4x128xi32, #tpu.memory_space<hbm>>) dst(%arg7 : memref<4x128xi32, #tpu.memory_space<vmem>>)
      tpu.yield
    }) : () -> ()
    %dma_start3A = arith.constant 0 : i32
    %dma_start3A_3 = arith.constant 0 : i32
    %dma_start3A_4 = arith.constant 0 : i32
    %dma_start3A_5 = arith.constant 0 : i32
    %dma_start3A_6 = tpu.memref_slice %arg8[%dma_start3A_3, %dma_start3A_4, %dma_start3A_5] : memref<2x128x128xf32, #tpu.memory_space<vmem>> -> memref<1x128x128xf32, #tpu.memory_space<vmem>>
    %dma_start3A_7 = tpu.memref_squeeze %dma_start3A_6 : memref<1x128x128xf32, #tpu.memory_space<vmem>> -> memref<128x128xf32, #tpu.memory_space<vmem>>
    %dma_start3A_8 = arith.constant 0 : i32
    %dma_start3A_9 = tpu.memref_slice %arg6[%dma_start3A, %dma_start3A_8] : memref<4x128xi32, #tpu.memory_space<vmem>> -> memref<1x128xi32, #tpu.memory_space<vmem>>
    %dma_start3A_10 = tpu.memref_squeeze %dma_start3A_9 : memref<1x128xi32, #tpu.memory_space<vmem>> -> memref<128xi32, #tpu.memory_space<vmem>>
    %dma_start3A_11 = arith.constant 0 : i32
    %dma_start3A_12 = arith.constant 0 : i32
    %dma_start3A_13 = tpu.memref_slice %arg2[%dma_start3A_11, %dma_start3A_12] : memref<100000x128xf32, #tpu.memory_space<hbm>> -> memref<100000x128xf32, #tpu.memory_space<hbm>>
    tpu.enqueue_indirect_dma source(%dma_start3A_13 : memref<100000x128xf32, #tpu.memory_space<hbm>>) target(%dma_start3A_7 : memref<128x128xf32, #tpu.memory_space<vmem>>) offsets(%dma_start3A_10 : memref<128xi32, #tpu.memory_space<vmem>>) semaphore(%arg10 : memref<!tpu.dma_semaphore, #tpu.memory_space<semaphore_mem>>)
    %dma_start3A_14 = arith.constant 0 : i32
    %dma_start3A_15 = arith.constant 0 : i32
    %dma_start3A_16 = arith.constant 0 : i32
    %dma_start3A_17 = arith.constant 0 : i32
    %dma_start3A_18 = tpu.memref_slice %arg9[%dma_start3A_15, %dma_start3A_16, %dma_start3A_17] : memref<2x128x128xf32, #tpu.memory_space<vmem>> -> memref<1x128x128xf32, #tpu.memory_space<vmem>>
    %dma_start3A_19 = tpu.memref_squeeze %dma_start3A_18 : memref<1x128x128xf32, #tpu.memory_space<vmem>> -> memref<128x128xf32, #tpu.memory_space<vmem>>
    %dma_start3A_20 = arith.constant 0 : i32
    %dma_start3A_21 = tpu.memref_slice %arg7[%dma_start3A_14, %dma_start3A_20] : memref<4x128xi32, #tpu.memory_space<vmem>> -> memref<1x128xi32, #tpu.memory_space<vmem>>
    %dma_start3A_22 = tpu.memref_squeeze %dma_start3A_21 : memref<1x128xi32, #tpu.memory_space<vmem>> -> memref<128xi32, #tpu.memory_space<vmem>>
    %dma_start3A_23 = arith.constant 0 : i32
    %dma_start3A_24 = arith.constant 0 : i32
    %dma_start3A_25 = tpu.memref_slice %arg2[%dma_start3A_23, %dma_start3A_24] : memref<100000x128xf32, #tpu.memory_space<hbm>> -> memref<100000x128xf32, #tpu.memory_space<hbm>>
    tpu.enqueue_indirect_dma source(%dma_start3A_25 : memref<100000x128xf32, #tpu.memory_space<hbm>>) target(%dma_start3A_19 : memref<128x128xf32, #tpu.memory_space<vmem>>) offsets(%dma_start3A_22 : memref<128xi32, #tpu.memory_space<vmem>>) semaphore(%arg10 : memref<!tpu.dma_semaphore, #tpu.memory_space<semaphore_mem>>)
    %dma_start3A_26 = arith.constant 1 : i32
    %dma_start3A_27 = arith.constant 1 : i32
    %dma_start3A_28 = arith.constant 0 : i32
    %dma_start3A_29 = arith.constant 0 : i32
    %dma_start3A_30 = tpu.memref_slice %arg8[%dma_start3A_27, %dma_start3A_28, %dma_start3A_29] : memref<2x128x128xf32, #tpu.memory_space<vmem>> -> memref<1x128x128xf32, #tpu.memory_space<vmem>>
    %dma_start3A_31 = tpu.memref_squeeze %dma_start3A_30 : memref<1x128x128xf32, #tpu.memory_space<vmem>> -> memref<128x128xf32, #tpu.memory_space<vmem>>
    %dma_start3A_32 = arith.constant 0 : i32
    %dma_start3A_33 = tpu.memref_slice %arg6[%dma_start3A_26, %dma_start3A_32] : memref<4x128xi32, #tpu.memory_space<vmem>> -> memref<1x128xi32, #tpu.memory_space<vmem>>
    %dma_start3A_34 = tpu.memref_squeeze %dma_start3A_33 : memref<1x128xi32, #tpu.memory_space<vmem>> -> memref<128xi32, #tpu.memory_space<vmem>>
    %dma_start3A_35 = arith.constant 0 : i32
    %dma_start3A_36 = arith.constant 0 : i32
    %dma_start3A_37 = tpu.memref_slice %arg2[%dma_start3A_35, %dma_start3A_36] : memref<100000x128xf32, #tpu.memory_space<hbm>> -> memref<100000x128xf32, #tpu.memory_space<hbm>>
    tpu.enqueue_indirect_dma source(%dma_start3A_37 : memref<100000x128xf32, #tpu.memory_space<hbm>>) target(%dma_start3A_31 : memref<128x128xf32, #tpu.memory_space<vmem>>) offsets(%dma_start3A_34 : memref<128xi32, #tpu.memory_space<vmem>>) semaphore(%arg10 : memref<!tpu.dma_semaphore, #tpu.memory_space<semaphore_mem>>)
    %dma_start3A_38 = arith.constant 1 : i32
    %dma_start3A_39 = arith.constant 1 : i32
    %dma_start3A_40 = arith.constant 0 : i32
    %dma_start3A_41 = arith.constant 0 : i32
    %dma_start3A_42 = tpu.memref_slice %arg9[%dma_start3A_39, %dma_start3A_40, %dma_start3A_41] : memref<2x128x128xf32, #tpu.memory_space<vmem>> -> memref<1x128x128xf32, #tpu.memory_space<vmem>>
    %dma_start3A_43 = tpu.memref_squeeze %dma_start3A_42 : memref<1x128x128xf32, #tpu.memory_space<vmem>> -> memref<128x128xf32, #tpu.memory_space<vmem>>
    %dma_start3A_44 = arith.constant 0 : i32
    %dma_start3A_45 = tpu.memref_slice %arg7[%dma_start3A_38, %dma_start3A_44] : memref<4x128xi32, #tpu.memory_space<vmem>> -> memref<1x128xi32, #tpu.memory_space<vmem>>
    %dma_start3A_46 = tpu.memref_squeeze %dma_start3A_45 : memref<1x128xi32, #tpu.memory_space<vmem>> -> memref<128xi32, #tpu.memory_space<vmem>>
    %dma_start3A_47 = arith.constant 0 : i32
    %dma_start3A_48 = arith.constant 0 : i32
    %dma_start3A_49 = tpu.memref_slice %arg2[%dma_start3A_47, %dma_start3A_48] : memref<100000x128xf32, #tpu.memory_space<hbm>> -> memref<100000x128xf32, #tpu.memory_space<hbm>>
    tpu.enqueue_indirect_dma source(%dma_start3A_49 : memref<100000x128xf32, #tpu.memory_space<hbm>>) target(%dma_start3A_43 : memref<128x128xf32, #tpu.memory_space<vmem>>) offsets(%dma_start3A_46 : memref<128xi32, #tpu.memory_space<vmem>>) semaphore(%arg10 : memref<!tpu.dma_semaphore, #tpu.memory_space<semaphore_mem>>)
    %dma_wait3A = arith.constant 0 : i32
    %dma_wait3A_50 = arith.constant 0 : i32
    %dma_wait3A_51 = arith.constant 0 : i32
    %dma_wait3A_52 = arith.constant 0 : i32
    %dma_wait3A_53 = tpu.memref_slice %arg8[%dma_wait3A_50, %dma_wait3A_51, %dma_wait3A_52] : memref<2x128x128xf32, #tpu.memory_space<vmem>> -> memref<1x128x128xf32, #tpu.memory_space<vmem>>
    %dma_wait3A_54 = tpu.memref_squeeze %dma_wait3A_53 : memref<1x128x128xf32, #tpu.memory_space<vmem>> -> memref<128x128xf32, #tpu.memory_space<vmem>>
    %dma_wait3A_55 = arith.constant 0 : i32
    %dma_wait3A_56 = tpu.memref_slice %arg6[%dma_wait3A, %dma_wait3A_55] : memref<4x128xi32, #tpu.memory_space<vmem>> -> memref<1x128xi32, #tpu.memory_space<vmem>>
    %dma_wait3A_57 = tpu.memref_squeeze %dma_wait3A_56 : memref<1x128xi32, #tpu.memory_space<vmem>> -> memref<128xi32, #tpu.memory_space<vmem>>
    %dma_wait3A_58 = arith.constant 0 : i32
    %dma_wait3A_59 = arith.constant 0 : i32
    %dma_wait3A_60 = tpu.memref_slice %arg2[%dma_wait3A_58, %dma_wait3A_59] : memref<100000x128xf32, #tpu.memory_space<hbm>> -> memref<100000x128xf32, #tpu.memory_space<hbm>>
    tpu.wait_indirect_dma semaphore(%arg10 : memref<!tpu.dma_semaphore, #tpu.memory_space<semaphore_mem>>) src(%dma_wait3A_60 : memref<100000x128xf32, #tpu.memory_space<hbm>>) dst(%dma_wait3A_54 : memref<128x128xf32, #tpu.memory_space<vmem>>)
    %dma_wait3A_61 = arith.constant 0 : i32
    %dma_wait3A_62 = arith.constant 0 : i32
    %dma_wait3A_63 = arith.constant 0 : i32
    %dma_wait3A_64 = arith.constant 0 : i32
    %dma_wait3A_65 = tpu.memref_slice %arg9[%dma_wait3A_62, %dma_wait3A_63, %dma_wait3A_64] : memref<2x128x128xf32, #tpu.memory_space<vmem>> -> memref<1x128x128xf32, #tpu.memory_space<vmem>>
    %dma_wait3A_66 = tpu.memref_squeeze %dma_wait3A_65 : memref<1x128x128xf32, #tpu.memory_space<vmem>> -> memref<128x128xf32, #tpu.memory_space<vmem>>
    %dma_wait3A_67 = arith.constant 0 : i32
    %dma_wait3A_68 = tpu.memref_slice %arg7[%dma_wait3A_61, %dma_wait3A_67] : memref<4x128xi32, #tpu.memory_space<vmem>> -> memref<1x128xi32, #tpu.memory_space<vmem>>
    %dma_wait3A_69 = tpu.memref_squeeze %dma_wait3A_68 : memref<1x128xi32, #tpu.memory_space<vmem>> -> memref<128xi32, #tpu.memory_space<vmem>>
    %dma_wait3A_70 = arith.constant 0 : i32
    %dma_wait3A_71 = arith.constant 0 : i32
    %dma_wait3A_72 = tpu.memref_slice %arg2[%dma_wait3A_70, %dma_wait3A_71] : memref<100000x128xf32, #tpu.memory_space<hbm>> -> memref<100000x128xf32, #tpu.memory_space<hbm>>
    tpu.wait_indirect_dma semaphore(%arg10 : memref<!tpu.dma_semaphore, #tpu.memory_space<semaphore_mem>>) src(%dma_wait3A_72 : memref<100000x128xf32, #tpu.memory_space<hbm>>) dst(%dma_wait3A_66 : memref<128x128xf32, #tpu.memory_space<vmem>>)
    %add3A_73 = arith.constant 0 : i32
    %add3A_74 = arith.addi %mul3A_2, %add3A_73 : i32
    %run_scoped3A = arith.constant 0 : i32
    "tpu.region"() ({
      %run_scoped3A_208 = tpu.sem_alloc : memref<!tpu.dma_semaphore, #tpu.memory_space<semaphore_mem>>
      %dma_start3A_209 = arith.constant 0 : i32
      %dma_start3A_210 = arith.constant 0 : i32
      %dma_start3A_211 = tpu.memref_slice %arg8[%run_scoped3A, %dma_start3A_209, %dma_start3A_210] : memref<2x128x128xf32, #tpu.memory_space<vmem>> -> memref<1x128x64xf32, #tpu.memory_space<vmem>>
      %dma_start3A_212 = tpu.memref_squeeze %dma_start3A_211 : memref<1x128x64xf32, #tpu.memory_space<vmem>> -> memref<128x64xf32, #tpu.memory_space<vmem>>
      %dma_start3A_213 = arith.constant 0 : i32
      %dma_start3A_214 = tpu.memref_slice %arg5[%add3A_74, %dma_start3A_213] : memref<16384x128xf32, #tpu.memory_space<hbm>> -> memref<128x64xf32, #tpu.memory_space<hbm>>
      %dma_start3A_215 = arith.constant 0 : i32
      %dma_start3A_216 = tpu.memref_slice %arg5[%add3A_74, %dma_start3A_215] : memref<16384x128xf32, #tpu.memory_space<hbm>> -> memref<128x64xf32, #tpu.memory_space<hbm>>
      %dma_start3A_217 = arith.constant 0 : i32
      %dma_start3A_218 = arith.constant 0 : i32
      %dma_start3A_219 = tpu.memref_slice %arg8[%run_scoped3A, %dma_start3A_217, %dma_start3A_218] : memref<2x128x128xf32, #tpu.memory_space<vmem>> -> memref<1x128x64xf32, #tpu.memory_space<vmem>>
      %dma_start3A_220 = tpu.memref_squeeze %dma_start3A_219 : memref<1x128x64xf32, #tpu.memory_space<vmem>> -> memref<128x64xf32, #tpu.memory_space<vmem>>
      tpu.enqueue_dma source(%dma_start3A_220 : memref<128x64xf32, #tpu.memory_space<vmem>>) target(%dma_start3A_216 : memref<128x64xf32, #tpu.memory_space<hbm>>) target_semaphore(%run_scoped3A_208 : memref<!tpu.dma_semaphore, #tpu.memory_space<semaphore_mem>>)
      %dma_wait3A_221 = arith.constant 0 : i32
      %dma_wait3A_222 = arith.constant 0 : i32
      %dma_wait3A_223 = tpu.memref_slice %arg8[%run_scoped3A, %dma_wait3A_221, %dma_wait3A_222] : memref<2x128x128xf32, #tpu.memory_space<vmem>> -> memref<1x128x64xf32, #tpu.memory_space<vmem>>
      %dma_wait3A_224 = tpu.memref_squeeze %dma_wait3A_223 : memref<1x128x64xf32, #tpu.memory_space<vmem>> -> memref<128x64xf32, #tpu.memory_space<vmem>>
      %dma_wait3A_225 = arith.constant 0 : i32
      %dma_wait3A_226 = tpu.memref_slice %arg5[%add3A_74, %dma_wait3A_225] : memref<16384x128xf32, #tpu.memory_space<hbm>> -> memref<128x64xf32, #tpu.memory_space<hbm>>
      %dma_wait3A_227 = arith.constant 0 : i32
      %dma_wait3A_228 = tpu.memref_slice %arg5[%add3A_74, %dma_wait3A_227] : memref<16384x128xf32, #tpu.memory_space<hbm>> -> memref<128x64xf32, #tpu.memory_space<hbm>>
      %dma_wait3A_229 = arith.constant 0 : i32
      %dma_wait3A_230 = arith.constant 0 : i32
      %dma_wait3A_231 = tpu.memref_slice %arg8[%run_scoped3A, %dma_wait3A_229, %dma_wait3A_230] : memref<2x128x128xf32, #tpu.memory_space<vmem>> -> memref<1x128x64xf32, #tpu.memory_space<vmem>>
      %dma_wait3A_232 = tpu.memref_squeeze %dma_wait3A_231 : memref<1x128x64xf32, #tpu.memory_space<vmem>> -> memref<128x64xf32, #tpu.memory_space<vmem>>
      tpu.wait_dma2 semaphore(%run_scoped3A_208 : memref<!tpu.dma_semaphore, #tpu.memory_space<semaphore_mem>>) src(%dma_wait3A_232 : memref<128x64xf32, #tpu.memory_space<vmem>>) dst(%dma_wait3A_228 : memref<128x64xf32, #tpu.memory_space<hbm>>)
      tpu.yield
    }) : () -> ()
    %run_scoped3A_75 = arith.constant 0 : i32
    "tpu.region"() ({
      %run_scoped3A_208 = tpu.sem_alloc : memref<!tpu.dma_semaphore, #tpu.memory_space<semaphore_mem>>
      %dma_start3A_209 = arith.constant 0 : i32
      %dma_start3A_210 = arith.constant 64 : i32
      %dma_start3A_211 = tpu.memref_slice %arg9[%run_scoped3A_75, %dma_start3A_209, %dma_start3A_210] : memref<2x128x128xf32, #tpu.memory_space<vmem>> -> memref<1x128x64xf32, #tpu.memory_space<vmem>>
      %dma_start3A_212 = tpu.memref_squeeze %dma_start3A_211 : memref<1x128x64xf32, #tpu.memory_space<vmem>> -> memref<128x64xf32, #tpu.memory_space<vmem>>
      %dma_start3A_213 = arith.constant 64 : i32
      %dma_start3A_214 = tpu.memref_slice %arg5[%add3A_74, %dma_start3A_213] : memref<16384x128xf32, #tpu.memory_space<hbm>> -> memref<128x64xf32, #tpu.memory_space<hbm>>
      %dma_start3A_215 = arith.constant 64 : i32
      %dma_start3A_216 = tpu.memref_slice %arg5[%add3A_74, %dma_start3A_215] : memref<16384x128xf32, #tpu.memory_space<hbm>> -> memref<128x64xf32, #tpu.memory_space<hbm>>
      %dma_start3A_217 = arith.constant 0 : i32
      %dma_start3A_218 = arith.constant 64 : i32
      %dma_start3A_219 = tpu.memref_slice %arg9[%run_scoped3A_75, %dma_start3A_217, %dma_start3A_218] : memref<2x128x128xf32, #tpu.memory_space<vmem>> -> memref<1x128x64xf32, #tpu.memory_space<vmem>>
      %dma_start3A_220 = tpu.memref_squeeze %dma_start3A_219 : memref<1x128x64xf32, #tpu.memory_space<vmem>> -> memref<128x64xf32, #tpu.memory_space<vmem>>
      tpu.enqueue_dma source(%dma_start3A_220 : memref<128x64xf32, #tpu.memory_space<vmem>>) target(%dma_start3A_216 : memref<128x64xf32, #tpu.memory_space<hbm>>) target_semaphore(%run_scoped3A_208 : memref<!tpu.dma_semaphore, #tpu.memory_space<semaphore_mem>>)
      %dma_wait3A_221 = arith.constant 0 : i32
      %dma_wait3A_222 = arith.constant 64 : i32
      %dma_wait3A_223 = tpu.memref_slice %arg9[%run_scoped3A_75, %dma_wait3A_221, %dma_wait3A_222] : memref<2x128x128xf32, #tpu.memory_space<vmem>> -> memref<1x128x64xf32, #tpu.memory_space<vmem>>
      %dma_wait3A_224 = tpu.memref_squeeze %dma_wait3A_223 : memref<1x128x64xf32, #tpu.memory_space<vmem>> -> memref<128x64xf32, #tpu.memory_space<vmem>>
      %dma_wait3A_225 = arith.constant 64 : i32
      %dma_wait3A_226 = tpu.memref_slice %arg5[%add3A_74, %dma_wait3A_225] : memref<16384x128xf32, #tpu.memory_space<hbm>> -> memref<128x64xf32, #tpu.memory_space<hbm>>
      %dma_wait3A_227 = arith.constant 64 : i32
      %dma_wait3A_228 = tpu.memref_slice %arg5[%add3A_74, %dma_wait3A_227] : memref<16384x128xf32, #tpu.memory_space<hbm>> -> memref<128x64xf32, #tpu.memory_space<hbm>>
      %dma_wait3A_229 = arith.constant 0 : i32
      %dma_wait3A_230 = arith.constant 64 : i32
      %dma_wait3A_231 = tpu.memref_slice %arg9[%run_scoped3A_75, %dma_wait3A_229, %dma_wait3A_230] : memref<2x128x128xf32, #tpu.memory_space<vmem>> -> memref<1x128x64xf32, #tpu.memory_space<vmem>>
      %dma_wait3A_232 = tpu.memref_squeeze %dma_wait3A_231 : memref<1x128x64xf32, #tpu.memory_space<vmem>> -> memref<128x64xf32, #tpu.memory_space<vmem>>
      tpu.wait_dma2 semaphore(%run_scoped3A_208 : memref<!tpu.dma_semaphore, #tpu.memory_space<semaphore_mem>>) src(%dma_wait3A_232 : memref<128x64xf32, #tpu.memory_space<vmem>>) dst(%dma_wait3A_228 : memref<128x64xf32, #tpu.memory_space<hbm>>)
      tpu.yield
    }) : () -> ()
    %dma_start3A_76 = arith.constant 2 : i32
    %dma_start3A_77 = arith.constant 0 : i32
    %dma_start3A_78 = arith.constant 0 : i32
    %dma_start3A_79 = arith.constant 0 : i32
    %dma_start3A_80 = tpu.memref_slice %arg8[%dma_start3A_77, %dma_start3A_78, %dma_start3A_79] : memref<2x128x128xf32, #tpu.memory_space<vmem>> -> memref<1x128x128xf32, #tpu.memory_space<vmem>>
    %dma_start3A_81 = tpu.memref_squeeze %dma_start3A_80 : memref<1x128x128xf32, #tpu.memory_space<vmem>> -> memref<128x128xf32, #tpu.memory_space<vmem>>
    %dma_start3A_82 = arith.constant 0 : i32
    %dma_start3A_83 = tpu.memref_slice %arg6[%dma_start3A_76, %dma_start3A_82] : memref<4x128xi32, #tpu.memory_space<vmem>> -> memref<1x128xi32, #tpu.memory_space<vmem>>
    %dma_start3A_84 = tpu.memref_squeeze %dma_start3A_83 : memref<1x128xi32, #tpu.memory_space<vmem>> -> memref<128xi32, #tpu.memory_space<vmem>>
    %dma_start3A_85 = arith.constant 0 : i32
    %dma_start3A_86 = arith.constant 0 : i32
    %dma_start3A_87 = tpu.memref_slice %arg2[%dma_start3A_85, %dma_start3A_86] : memref<100000x128xf32, #tpu.memory_space<hbm>> -> memref<100000x128xf32, #tpu.memory_space<hbm>>
    tpu.enqueue_indirect_dma source(%dma_start3A_87 : memref<100000x128xf32, #tpu.memory_space<hbm>>) target(%dma_start3A_81 : memref<128x128xf32, #tpu.memory_space<vmem>>) offsets(%dma_start3A_84 : memref<128xi32, #tpu.memory_space<vmem>>) semaphore(%arg10 : memref<!tpu.dma_semaphore, #tpu.memory_space<semaphore_mem>>)
    %dma_start3A_88 = arith.constant 2 : i32
    %dma_start3A_89 = arith.constant 0 : i32
    %dma_start3A_90 = arith.constant 0 : i32
    %dma_start3A_91 = arith.constant 0 : i32
    %dma_start3A_92 = tpu.memref_slice %arg9[%dma_start3A_89, %dma_start3A_90, %dma_start3A_91] : memref<2x128x128xf32, #tpu.memory_space<vmem>> -> memref<1x128x128xf32, #tpu.memory_space<vmem>>
    %dma_start3A_93 = tpu.memref_squeeze %dma_start3A_92 : memref<1x128x128xf32, #tpu.memory_space<vmem>> -> memref<128x128xf32, #tpu.memory_space<vmem>>
    %dma_start3A_94 = arith.constant 0 : i32
    %dma_start3A_95 = tpu.memref_slice %arg7[%dma_start3A_88, %dma_start3A_94] : memref<4x128xi32, #tpu.memory_space<vmem>> -> memref<1x128xi32, #tpu.memory_space<vmem>>
    %dma_start3A_96 = tpu.memref_squeeze %dma_start3A_95 : memref<1x128xi32, #tpu.memory_space<vmem>> -> memref<128xi32, #tpu.memory_space<vmem>>
    %dma_start3A_97 = arith.constant 0 : i32
    %dma_start3A_98 = arith.constant 0 : i32
    %dma_start3A_99 = tpu.memref_slice %arg2[%dma_start3A_97, %dma_start3A_98] : memref<100000x128xf32, #tpu.memory_space<hbm>> -> memref<100000x128xf32, #tpu.memory_space<hbm>>
    tpu.enqueue_indirect_dma source(%dma_start3A_99 : memref<100000x128xf32, #tpu.memory_space<hbm>>) target(%dma_start3A_93 : memref<128x128xf32, #tpu.memory_space<vmem>>) offsets(%dma_start3A_96 : memref<128xi32, #tpu.memory_space<vmem>>) semaphore(%arg10 : memref<!tpu.dma_semaphore, #tpu.memory_space<semaphore_mem>>)
    %dma_wait3A_100 = arith.constant 1 : i32
    %dma_wait3A_101 = arith.constant 1 : i32
    %dma_wait3A_102 = arith.constant 0 : i32
    %dma_wait3A_103 = arith.constant 0 : i32
    %dma_wait3A_104 = tpu.memref_slice %arg8[%dma_wait3A_101, %dma_wait3A_102, %dma_wait3A_103] : memref<2x128x128xf32, #tpu.memory_space<vmem>> -> memref<1x128x128xf32, #tpu.memory_space<vmem>>
    %dma_wait3A_105 = tpu.memref_squeeze %dma_wait3A_104 : memref<1x128x128xf32, #tpu.memory_space<vmem>> -> memref<128x128xf32, #tpu.memory_space<vmem>>
    %dma_wait3A_106 = arith.constant 0 : i32
    %dma_wait3A_107 = tpu.memref_slice %arg6[%dma_wait3A_100, %dma_wait3A_106] : memref<4x128xi32, #tpu.memory_space<vmem>> -> memref<1x128xi32, #tpu.memory_space<vmem>>
    %dma_wait3A_108 = tpu.memref_squeeze %dma_wait3A_107 : memref<1x128xi32, #tpu.memory_space<vmem>> -> memref<128xi32, #tpu.memory_space<vmem>>
    %dma_wait3A_109 = arith.constant 0 : i32
    %dma_wait3A_110 = arith.constant 0 : i32
    %dma_wait3A_111 = tpu.memref_slice %arg2[%dma_wait3A_109, %dma_wait3A_110] : memref<100000x128xf32, #tpu.memory_space<hbm>> -> memref<100000x128xf32, #tpu.memory_space<hbm>>
    tpu.wait_indirect_dma semaphore(%arg10 : memref<!tpu.dma_semaphore, #tpu.memory_space<semaphore_mem>>) src(%dma_wait3A_111 : memref<100000x128xf32, #tpu.memory_space<hbm>>) dst(%dma_wait3A_105 : memref<128x128xf32, #tpu.memory_space<vmem>>)
    %dma_wait3A_112 = arith.constant 1 : i32
    %dma_wait3A_113 = arith.constant 1 : i32
    %dma_wait3A_114 = arith.constant 0 : i32
    %dma_wait3A_115 = arith.constant 0 : i32
    %dma_wait3A_116 = tpu.memref_slice %arg9[%dma_wait3A_113, %dma_wait3A_114, %dma_wait3A_115] : memref<2x128x128xf32, #tpu.memory_space<vmem>> -> memref<1x128x128xf32, #tpu.memory_space<vmem>>
    %dma_wait3A_117 = tpu.memref_squeeze %dma_wait3A_116 : memref<1x128x128xf32, #tpu.memory_space<vmem>> -> memref<128x128xf32, #tpu.memory_space<vmem>>
    %dma_wait3A_118 = arith.constant 0 : i32
    %dma_wait3A_119 = tpu.memref_slice %arg7[%dma_wait3A_112, %dma_wait3A_118] : memref<4x128xi32, #tpu.memory_space<vmem>> -> memref<1x128xi32, #tpu.memory_space<vmem>>
    %dma_wait3A_120 = tpu.memref_squeeze %dma_wait3A_119 : memref<1x128xi32, #tpu.memory_space<vmem>> -> memref<128xi32, #tpu.memory_space<vmem>>
    %dma_wait3A_121 = arith.constant 0 : i32
    %dma_wait3A_122 = arith.constant 0 : i32
    %dma_wait3A_123 = tpu.memref_slice %arg2[%dma_wait3A_121, %dma_wait3A_122] : memref<100000x128xf32, #tpu.memory_space<hbm>> -> memref<100000x128xf32, #tpu.memory_space<hbm>>
    tpu.wait_indirect_dma semaphore(%arg10 : memref<!tpu.dma_semaphore, #tpu.memory_space<semaphore_mem>>) src(%dma_wait3A_123 : memref<100000x128xf32, #tpu.memory_space<hbm>>) dst(%dma_wait3A_117 : memref<128x128xf32, #tpu.memory_space<vmem>>)
    %add3A_124 = arith.constant 128 : i32
    %add3A_125 = arith.addi %mul3A_2, %add3A_124 : i32
    %run_scoped3A_126 = arith.constant 1 : i32
    "tpu.region"() ({
      %run_scoped3A_208 = tpu.sem_alloc : memref<!tpu.dma_semaphore, #tpu.memory_space<semaphore_mem>>
      %dma_start3A_209 = arith.constant 0 : i32
      %dma_start3A_210 = arith.constant 0 : i32
      %dma_start3A_211 = tpu.memref_slice %arg8[%run_scoped3A_126, %dma_start3A_209, %dma_start3A_210] : memref<2x128x128xf32, #tpu.memory_space<vmem>> -> memref<1x128x64xf32, #tpu.memory_space<vmem>>
      %dma_start3A_212 = tpu.memref_squeeze %dma_start3A_211 : memref<1x128x64xf32, #tpu.memory_space<vmem>> -> memref<128x64xf32, #tpu.memory_space<vmem>>
      %dma_start3A_213 = arith.constant 0 : i32
      %dma_start3A_214 = tpu.memref_slice %arg5[%add3A_125, %dma_start3A_213] : memref<16384x128xf32, #tpu.memory_space<hbm>> -> memref<128x64xf32, #tpu.memory_space<hbm>>
      %dma_start3A_215 = arith.constant 0 : i32
      %dma_start3A_216 = tpu.memref_slice %arg5[%add3A_125, %dma_start3A_215] : memref<16384x128xf32, #tpu.memory_space<hbm>> -> memref<128x64xf32, #tpu.memory_space<hbm>>
      %dma_start3A_217 = arith.constant 0 : i32
      %dma_start3A_218 = arith.constant 0 : i32
      %dma_start3A_219 = tpu.memref_slice %arg8[%run_scoped3A_126, %dma_start3A_217, %dma_start3A_218] : memref<2x128x128xf32, #tpu.memory_space<vmem>> -> memref<1x128x64xf32, #tpu.memory_space<vmem>>
      %dma_start3A_220 = tpu.memref_squeeze %dma_start3A_219 : memref<1x128x64xf32, #tpu.memory_space<vmem>> -> memref<128x64xf32, #tpu.memory_space<vmem>>
      tpu.enqueue_dma source(%dma_start3A_220 : memref<128x64xf32, #tpu.memory_space<vmem>>) target(%dma_start3A_216 : memref<128x64xf32, #tpu.memory_space<hbm>>) target_semaphore(%run_scoped3A_208 : memref<!tpu.dma_semaphore, #tpu.memory_space<semaphore_mem>>)
      %dma_wait3A_221 = arith.constant 0 : i32
      %dma_wait3A_222 = arith.constant 0 : i32
      %dma_wait3A_223 = tpu.memref_slice %arg8[%run_scoped3A_126, %dma_wait3A_221, %dma_wait3A_222] : memref<2x128x128xf32, #tpu.memory_space<vmem>> -> memref<1x128x64xf32, #tpu.memory_space<vmem>>
      %dma_wait3A_224 = tpu.memref_squeeze %dma_wait3A_223 : memref<1x128x64xf32, #tpu.memory_space<vmem>> -> memref<128x64xf32, #tpu.memory_space<vmem>>
      %dma_wait3A_225 = arith.constant 0 : i32
      %dma_wait3A_226 = tpu.memref_slice %arg5[%add3A_125, %dma_wait3A_225] : memref<16384x128xf32, #tpu.memory_space<hbm>> -> memref<128x64xf32, #tpu.memory_space<hbm>>
      %dma_wait3A_227 = arith.constant 0 : i32
      %dma_wait3A_228 = tpu.memref_slice %arg5[%add3A_125, %dma_wait3A_227] : memref<16384x128xf32, #tpu.memory_space<hbm>> -> memref<128x64xf32, #tpu.memory_space<hbm>>
      %dma_wait3A_229 = arith.constant 0 : i32
      %dma_wait3A_230 = arith.constant 0 : i32
      %dma_wait3A_231 = tpu.memref_slice %arg8[%run_scoped3A_126, %dma_wait3A_229, %dma_wait3A_230] : memref<2x128x128xf32, #tpu.memory_space<vmem>> -> memref<1x128x64xf32, #tpu.memory_space<vmem>>
      %dma_wait3A_232 = tpu.memref_squeeze %dma_wait3A_231 : memref<1x128x64xf32, #tpu.memory_space<vmem>> -> memref<128x64xf32, #tpu.memory_space<vmem>>
      tpu.wait_dma2 semaphore(%run_scoped3A_208 : memref<!tpu.dma_semaphore, #tpu.memory_space<semaphore_mem>>) src(%dma_wait3A_232 : memref<128x64xf32, #tpu.memory_space<vmem>>) dst(%dma_wait3A_228 : memref<128x64xf32, #tpu.memory_space<hbm>>)
      tpu.yield
    }) : () -> ()
    %run_scoped3A_127 = arith.constant 1 : i32
    "tpu.region"() ({
      %run_scoped3A_208 = tpu.sem_alloc : memref<!tpu.dma_semaphore, #tpu.memory_space<semaphore_mem>>
      %dma_start3A_209 = arith.constant 0 : i32
      %dma_start3A_210 = arith.constant 64 : i32
      %dma_start3A_211 = tpu.memref_slice %arg9[%run_scoped3A_127, %dma_start3A_209, %dma_start3A_210] : memref<2x128x128xf32, #tpu.memory_space<vmem>> -> memref<1x128x64xf32, #tpu.memory_space<vmem>>
      %dma_start3A_212 = tpu.memref_squeeze %dma_start3A_211 : memref<1x128x64xf32, #tpu.memory_space<vmem>> -> memref<128x64xf32, #tpu.memory_space<vmem>>
      %dma_start3A_213 = arith.constant 64 : i32
      %dma_start3A_214 = tpu.memref_slice %arg5[%add3A_125, %dma_start3A_213] : memref<16384x128xf32, #tpu.memory_space<hbm>> -> memref<128x64xf32, #tpu.memory_space<hbm>>
      %dma_start3A_215 = arith.constant 64 : i32
      %dma_start3A_216 = tpu.memref_slice %arg5[%add3A_125, %dma_start3A_215] : memref<16384x128xf32, #tpu.memory_space<hbm>> -> memref<128x64xf32, #tpu.memory_space<hbm>>
      %dma_start3A_217 = arith.constant 0 : i32
      %dma_start3A_218 = arith.constant 64 : i32
      %dma_start3A_219 = tpu.memref_slice %arg9[%run_scoped3A_127, %dma_start3A_217, %dma_start3A_218] : memref<2x128x128xf32, #tpu.memory_space<vmem>> -> memref<1x128x64xf32, #tpu.memory_space<vmem>>
      %dma_start3A_220 = tpu.memref_squeeze %dma_start3A_219 : memref<1x128x64xf32, #tpu.memory_space<vmem>> -> memref<128x64xf32, #tpu.memory_space<vmem>>
      tpu.enqueue_dma source(%dma_start3A_220 : memref<128x64xf32, #tpu.memory_space<vmem>>) target(%dma_start3A_216 : memref<128x64xf32, #tpu.memory_space<hbm>>) target_semaphore(%run_scoped3A_208 : memref<!tpu.dma_semaphore, #tpu.memory_space<semaphore_mem>>)
      %dma_wait3A_221 = arith.constant 0 : i32
      %dma_wait3A_222 = arith.constant 64 : i32
      %dma_wait3A_223 = tpu.memref_slice %arg9[%run_scoped3A_127, %dma_wait3A_221, %dma_wait3A_222] : memref<2x128x128xf32, #tpu.memory_space<vmem>> -> memref<1x128x64xf32, #tpu.memory_space<vmem>>
      %dma_wait3A_224 = tpu.memref_squeeze %dma_wait3A_223 : memref<1x128x64xf32, #tpu.memory_space<vmem>> -> memref<128x64xf32, #tpu.memory_space<vmem>>
      %dma_wait3A_225 = arith.constant 64 : i32
      %dma_wait3A_226 = tpu.memref_slice %arg5[%add3A_125, %dma_wait3A_225] : memref<16384x128xf32, #tpu.memory_space<hbm>> -> memref<128x64xf32, #tpu.memory_space<hbm>>
      %dma_wait3A_227 = arith.constant 64 : i32
      %dma_wait3A_228 = tpu.memref_slice %arg5[%add3A_125, %dma_wait3A_227] : memref<16384x128xf32, #tpu.memory_space<hbm>> -> memref<128x64xf32, #tpu.memory_space<hbm>>
      %dma_wait3A_229 = arith.constant 0 : i32
      %dma_wait3A_230 = arith.constant 64 : i32
      %dma_wait3A_231 = tpu.memref_slice %arg9[%run_scoped3A_127, %dma_wait3A_229, %dma_wait3A_230] : memref<2x128x128xf32, #tpu.memory_space<vmem>> -> memref<1x128x64xf32, #tpu.memory_space<vmem>>
      %dma_wait3A_232 = tpu.memref_squeeze %dma_wait3A_231 : memref<1x128x64xf32, #tpu.memory_space<vmem>> -> memref<128x64xf32, #tpu.memory_space<vmem>>
      tpu.wait_dma2 semaphore(%run_scoped3A_208 : memref<!tpu.dma_semaphore, #tpu.memory_space<semaphore_mem>>) src(%dma_wait3A_232 : memref<128x64xf32, #tpu.memory_space<vmem>>) dst(%dma_wait3A_228 : memref<128x64xf32, #tpu.memory_space<hbm>>)
      tpu.yield
    }) : () -> ()
    %dma_start3A_128 = arith.constant 3 : i32
    %dma_start3A_129 = arith.constant 1 : i32
    %dma_start3A_130 = arith.constant 0 : i32
    %dma_start3A_131 = arith.constant 0 : i32
    %dma_start3A_132 = tpu.memref_slice %arg8[%dma_start3A_129, %dma_start3A_130, %dma_start3A_131] : memref<2x128x128xf32, #tpu.memory_space<vmem>> -> memref<1x128x128xf32, #tpu.memory_space<vmem>>
    %dma_start3A_133 = tpu.memref_squeeze %dma_start3A_132 : memref<1x128x128xf32, #tpu.memory_space<vmem>> -> memref<128x128xf32, #tpu.memory_space<vmem>>
    %dma_start3A_134 = arith.constant 0 : i32
    %dma_start3A_135 = tpu.memref_slice %arg6[%dma_start3A_128, %dma_start3A_134] : memref<4x128xi32, #tpu.memory_space<vmem>> -> memref<1x128xi32, #tpu.memory_space<vmem>>
    %dma_start3A_136 = tpu.memref_squeeze %dma_start3A_135 : memref<1x128xi32, #tpu.memory_space<vmem>> -> memref<128xi32, #tpu.memory_space<vmem>>
    %dma_start3A_137 = arith.constant 0 : i32
    %dma_start3A_138 = arith.constant 0 : i32
    %dma_start3A_139 = tpu.memref_slice %arg2[%dma_start3A_137, %dma_start3A_138] : memref<100000x128xf32, #tpu.memory_space<hbm>> -> memref<100000x128xf32, #tpu.memory_space<hbm>>
    tpu.enqueue_indirect_dma source(%dma_start3A_139 : memref<100000x128xf32, #tpu.memory_space<hbm>>) target(%dma_start3A_133 : memref<128x128xf32, #tpu.memory_space<vmem>>) offsets(%dma_start3A_136 : memref<128xi32, #tpu.memory_space<vmem>>) semaphore(%arg10 : memref<!tpu.dma_semaphore, #tpu.memory_space<semaphore_mem>>)
    %dma_start3A_140 = arith.constant 3 : i32
    %dma_start3A_141 = arith.constant 1 : i32
    %dma_start3A_142 = arith.constant 0 : i32
    %dma_start3A_143 = arith.constant 0 : i32
    %dma_start3A_144 = tpu.memref_slice %arg9[%dma_start3A_141, %dma_start3A_142, %dma_start3A_143] : memref<2x128x128xf32, #tpu.memory_space<vmem>> -> memref<1x128x128xf32, #tpu.memory_space<vmem>>
    %dma_start3A_145 = tpu.memref_squeeze %dma_start3A_144 : memref<1x128x128xf32, #tpu.memory_space<vmem>> -> memref<128x128xf32, #tpu.memory_space<vmem>>
    %dma_start3A_146 = arith.constant 0 : i32
    %dma_start3A_147 = tpu.memref_slice %arg7[%dma_start3A_140, %dma_start3A_146] : memref<4x128xi32, #tpu.memory_space<vmem>> -> memref<1x128xi32, #tpu.memory_space<vmem>>
    %dma_start3A_148 = tpu.memref_squeeze %dma_start3A_147 : memref<1x128xi32, #tpu.memory_space<vmem>> -> memref<128xi32, #tpu.memory_space<vmem>>
    %dma_start3A_149 = arith.constant 0 : i32
    %dma_start3A_150 = arith.constant 0 : i32
    %dma_start3A_151 = tpu.memref_slice %arg2[%dma_start3A_149, %dma_start3A_150] : memref<100000x128xf32, #tpu.memory_space<hbm>> -> memref<100000x128xf32, #tpu.memory_space<hbm>>
    tpu.enqueue_indirect_dma source(%dma_start3A_151 : memref<100000x128xf32, #tpu.memory_space<hbm>>) target(%dma_start3A_145 : memref<128x128xf32, #tpu.memory_space<vmem>>) offsets(%dma_start3A_148 : memref<128xi32, #tpu.memory_space<vmem>>) semaphore(%arg10 : memref<!tpu.dma_semaphore, #tpu.memory_space<semaphore_mem>>)
    %dma_wait3A_152 = arith.constant 2 : i32
    %dma_wait3A_153 = arith.constant 0 : i32
    %dma_wait3A_154 = arith.constant 0 : i32
    %dma_wait3A_155 = arith.constant 0 : i32
    %dma_wait3A_156 = tpu.memref_slice %arg8[%dma_wait3A_153, %dma_wait3A_154, %dma_wait3A_155] : memref<2x128x128xf32, #tpu.memory_space<vmem>> -> memref<1x128x128xf32, #tpu.memory_space<vmem>>
    %dma_wait3A_157 = tpu.memref_squeeze %dma_wait3A_156 : memref<1x128x128xf32, #tpu.memory_space<vmem>> -> memref<128x128xf32, #tpu.memory_space<vmem>>
    %dma_wait3A_158 = arith.constant 0 : i32
    %dma_wait3A_159 = tpu.memref_slice %arg6[%dma_wait3A_152, %dma_wait3A_158] : memref<4x128xi32, #tpu.memory_space<vmem>> -> memref<1x128xi32, #tpu.memory_space<vmem>>
    %dma_wait3A_160 = tpu.memref_squeeze %dma_wait3A_159 : memref<1x128xi32, #tpu.memory_space<vmem>> -> memref<128xi32, #tpu.memory_space<vmem>>
    %dma_wait3A_161 = arith.constant 0 : i32
    %dma_wait3A_162 = arith.constant 0 : i32
    %dma_wait3A_163 = tpu.memref_slice %arg2[%dma_wait3A_161, %dma_wait3A_162] : memref<100000x128xf32, #tpu.memory_space<hbm>> -> memref<100000x128xf32, #tpu.memory_space<hbm>>
    tpu.wait_indirect_dma semaphore(%arg10 : memref<!tpu.dma_semaphore, #tpu.memory_space<semaphore_mem>>) src(%dma_wait3A_163 : memref<100000x128xf32, #tpu.memory_space<hbm>>) dst(%dma_wait3A_157 : memref<128x128xf32, #tpu.memory_space<vmem>>)
    %dma_wait3A_164 = arith.constant 2 : i32
    %dma_wait3A_165 = arith.constant 0 : i32
    %dma_wait3A_166 = arith.constant 0 : i32
    %dma_wait3A_167 = arith.constant 0 : i32
    %dma_wait3A_168 = tpu.memref_slice %arg9[%dma_wait3A_165, %dma_wait3A_166, %dma_wait3A_167] : memref<2x128x128xf32, #tpu.memory_space<vmem>> -> memref<1x128x128xf32, #tpu.memory_space<vmem>>
    %dma_wait3A_169 = tpu.memref_squeeze %dma_wait3A_168 : memref<1x128x128xf32, #tpu.memory_space<vmem>> -> memref<128x128xf32, #tpu.memory_space<vmem>>
    %dma_wait3A_170 = arith.constant 0 : i32
    %dma_wait3A_171 = tpu.memref_slice %arg7[%dma_wait3A_164, %dma_wait3A_170] : memref<4x128xi32, #tpu.memory_space<vmem>> -> memref<1x128xi32, #tpu.memory_space<vmem>>
    %dma_wait3A_172 = tpu.memref_squeeze %dma_wait3A_171 : memref<1x128xi32, #tpu.memory_space<vmem>> -> memref<128xi32, #tpu.memory_space<vmem>>
    %dma_wait3A_173 = arith.constant 0 : i32
    %dma_wait3A_174 = arith.constant 0 : i32
    %dma_wait3A_175 = tpu.memref_slice %arg2[%dma_wait3A_173, %dma_wait3A_174] : memref<100000x128xf32, #tpu.memory_space<hbm>> -> memref<100000x128xf32, #tpu.memory_space<hbm>>
    tpu.wait_indirect_dma semaphore(%arg10 : memref<!tpu.dma_semaphore, #tpu.memory_space<semaphore_mem>>) src(%dma_wait3A_175 : memref<100000x128xf32, #tpu.memory_space<hbm>>) dst(%dma_wait3A_169 : memref<128x128xf32, #tpu.memory_space<vmem>>)
    %add3A_176 = arith.constant 256 : i32
    %add3A_177 = arith.addi %mul3A_2, %add3A_176 : i32
    %run_scoped3A_178 = arith.constant 0 : i32
    "tpu.region"() ({
      %run_scoped3A_208 = tpu.sem_alloc : memref<!tpu.dma_semaphore, #tpu.memory_space<semaphore_mem>>
      %dma_start3A_209 = arith.constant 0 : i32
      %dma_start3A_210 = arith.constant 0 : i32
      %dma_start3A_211 = tpu.memref_slice %arg8[%run_scoped3A_178, %dma_start3A_209, %dma_start3A_210] : memref<2x128x128xf32, #tpu.memory_space<vmem>> -> memref<1x128x64xf32, #tpu.memory_space<vmem>>
      %dma_start3A_212 = tpu.memref_squeeze %dma_start3A_211 : memref<1x128x64xf32, #tpu.memory_space<vmem>> -> memref<128x64xf32, #tpu.memory_space<vmem>>
      %dma_start3A_213 = arith.constant 0 : i32
      %dma_start3A_214 = tpu.memref_slice %arg5[%add3A_177, %dma_start3A_213] : memref<16384x128xf32, #tpu.memory_space<hbm>> -> memref<128x64xf32, #tpu.memory_space<hbm>>
      %dma_start3A_215 = arith.constant 0 : i32
      %dma_start3A_216 = tpu.memref_slice %arg5[%add3A_177, %dma_start3A_215] : memref<16384x128xf32, #tpu.memory_space<hbm>> -> memref<128x64xf32, #tpu.memory_space<hbm>>
      %dma_start3A_217 = arith.constant 0 : i32
      %dma_start3A_218 = arith.constant 0 : i32
      %dma_start3A_219 = tpu.memref_slice %arg8[%run_scoped3A_178, %dma_start3A_217, %dma_start3A_218] : memref<2x128x128xf32, #tpu.memory_space<vmem>> -> memref<1x128x64xf32, #tpu.memory_space<vmem>>
      %dma_start3A_220 = tpu.memref_squeeze %dma_start3A_219 : memref<1x128x64xf32, #tpu.memory_space<vmem>> -> memref<128x64xf32, #tpu.memory_space<vmem>>
      tpu.enqueue_dma source(%dma_start3A_220 : memref<128x64xf32, #tpu.memory_space<vmem>>) target(%dma_start3A_216 : memref<128x64xf32, #tpu.memory_space<hbm>>) target_semaphore(%run_scoped3A_208 : memref<!tpu.dma_semaphore, #tpu.memory_space<semaphore_mem>>)
      %dma_wait3A_221 = arith.constant 0 : i32
      %dma_wait3A_222 = arith.constant 0 : i32
      %dma_wait3A_223 = tpu.memref_slice %arg8[%run_scoped3A_178, %dma_wait3A_221, %dma_wait3A_222] : memref<2x128x128xf32, #tpu.memory_space<vmem>> -> memref<1x128x64xf32, #tpu.memory_space<vmem>>
      %dma_wait3A_224 = tpu.memref_squeeze %dma_wait3A_223 : memref<1x128x64xf32, #tpu.memory_space<vmem>> -> memref<128x64xf32, #tpu.memory_space<vmem>>
      %dma_wait3A_225 = arith.constant 0 : i32
      %dma_wait3A_226 = tpu.memref_slice %arg5[%add3A_177, %dma_wait3A_225] : memref<16384x128xf32, #tpu.memory_space<hbm>> -> memref<128x64xf32, #tpu.memory_space<hbm>>
      %dma_wait3A_227 = arith.constant 0 : i32
      %dma_wait3A_228 = tpu.memref_slice %arg5[%add3A_177, %dma_wait3A_227] : memref<16384x128xf32, #tpu.memory_space<hbm>> -> memref<128x64xf32, #tpu.memory_space<hbm>>
      %dma_wait3A_229 = arith.constant 0 : i32
      %dma_wait3A_230 = arith.constant 0 : i32
      %dma_wait3A_231 = tpu.memref_slice %arg8[%run_scoped3A_178, %dma_wait3A_229, %dma_wait3A_230] : memref<2x128x128xf32, #tpu.memory_space<vmem>> -> memref<1x128x64xf32, #tpu.memory_space<vmem>>
      %dma_wait3A_232 = tpu.memref_squeeze %dma_wait3A_231 : memref<1x128x64xf32, #tpu.memory_space<vmem>> -> memref<128x64xf32, #tpu.memory_space<vmem>>
      tpu.wait_dma2 semaphore(%run_scoped3A_208 : memref<!tpu.dma_semaphore, #tpu.memory_space<semaphore_mem>>) src(%dma_wait3A_232 : memref<128x64xf32, #tpu.memory_space<vmem>>) dst(%dma_wait3A_228 : memref<128x64xf32, #tpu.memory_space<hbm>>)
      tpu.yield
    }) : () -> ()
    %run_scoped3A_179 = arith.constant 0 : i32
    "tpu.region"() ({
      %run_scoped3A_208 = tpu.sem_alloc : memref<!tpu.dma_semaphore, #tpu.memory_space<semaphore_mem>>
      %dma_start3A_209 = arith.constant 0 : i32
      %dma_start3A_210 = arith.constant 64 : i32
      %dma_start3A_211 = tpu.memref_slice %arg9[%run_scoped3A_179, %dma_start3A_209, %dma_start3A_210] : memref<2x128x128xf32, #tpu.memory_space<vmem>> -> memref<1x128x64xf32, #tpu.memory_space<vmem>>
      %dma_start3A_212 = tpu.memref_squeeze %dma_start3A_211 : memref<1x128x64xf32, #tpu.memory_space<vmem>> -> memref<128x64xf32, #tpu.memory_space<vmem>>
      %dma_start3A_213 = arith.constant 64 : i32
      %dma_start3A_214 = tpu.memref_slice %arg5[%add3A_177, %dma_start3A_213] : memref<16384x128xf32, #tpu.memory_space<hbm>> -> memref<128x64xf32, #tpu.memory_space<hbm>>
      %dma_start3A_215 = arith.constant 64 : i32
      %dma_start3A_216 = tpu.memref_slice %arg5[%add3A_177, %dma_start3A_215] : memref<16384x128xf32, #tpu.memory_space<hbm>> -> memref<128x64xf32, #tpu.memory_space<hbm>>
      %dma_start3A_217 = arith.constant 0 : i32
      %dma_start3A_218 = arith.constant 64 : i32
      %dma_start3A_219 = tpu.memref_slice %arg9[%run_scoped3A_179, %dma_start3A_217, %dma_start3A_218] : memref<2x128x128xf32, #tpu.memory_space<vmem>> -> memref<1x128x64xf32, #tpu.memory_space<vmem>>
      %dma_start3A_220 = tpu.memref_squeeze %dma_start3A_219 : memref<1x128x64xf32, #tpu.memory_space<vmem>> -> memref<128x64xf32, #tpu.memory_space<vmem>>
      tpu.enqueue_dma source(%dma_start3A_220 : memref<128x64xf32, #tpu.memory_space<vmem>>) target(%dma_start3A_216 : memref<128x64xf32, #tpu.memory_space<hbm>>) target_semaphore(%run_scoped3A_208 : memref<!tpu.dma_semaphore, #tpu.memory_space<semaphore_mem>>)
      %dma_wait3A_221 = arith.constant 0 : i32
      %dma_wait3A_222 = arith.constant 64 : i32
      %dma_wait3A_223 = tpu.memref_slice %arg9[%run_scoped3A_179, %dma_wait3A_221, %dma_wait3A_222] : memref<2x128x128xf32, #tpu.memory_space<vmem>> -> memref<1x128x64xf32, #tpu.memory_space<vmem>>
      %dma_wait3A_224 = tpu.memref_squeeze %dma_wait3A_223 : memref<1x128x64xf32, #tpu.memory_space<vmem>> -> memref<128x64xf32, #tpu.memory_space<vmem>>
      %dma_wait3A_225 = arith.constant 64 : i32
      %dma_wait3A_226 = tpu.memref_slice %arg5[%add3A_177, %dma_wait3A_225] : memref<16384x128xf32, #tpu.memory_space<hbm>> -> memref<128x64xf32, #tpu.memory_space<hbm>>
      %dma_wait3A_227 = arith.constant 64 : i32
      %dma_wait3A_228 = tpu.memref_slice %arg5[%add3A_177, %dma_wait3A_227] : memref<16384x128xf32, #tpu.memory_space<hbm>> -> memref<128x64xf32, #tpu.memory_space<hbm>>
      %dma_wait3A_229 = arith.constant 0 : i32
      %dma_wait3A_230 = arith.constant 64 : i32
      %dma_wait3A_231 = tpu.memref_slice %arg9[%run_scoped3A_179, %dma_wait3A_229, %dma_wait3A_230] : memref<2x128x128xf32, #tpu.memory_space<vmem>> -> memref<1x128x64xf32, #tpu.memory_space<vmem>>
      %dma_wait3A_232 = tpu.memref_squeeze %dma_wait3A_231 : memref<1x128x64xf32, #tpu.memory_space<vmem>> -> memref<128x64xf32, #tpu.memory_space<vmem>>
      tpu.wait_dma2 semaphore(%run_scoped3A_208 : memref<!tpu.dma_semaphore, #tpu.memory_space<semaphore_mem>>) src(%dma_wait3A_232 : memref<128x64xf32, #tpu.memory_space<vmem>>) dst(%dma_wait3A_228 : memref<128x64xf32, #tpu.memory_space<hbm>>)
      tpu.yield
    }) : () -> ()
    %dma_wait3A_180 = arith.constant 3 : i32
    %dma_wait3A_181 = arith.constant 1 : i32
    %dma_wait3A_182 = arith.constant 0 : i32
    %dma_wait3A_183 = arith.constant 0 : i32
    %dma_wait3A_184 = tpu.memref_slice %arg8[%dma_wait3A_181, %dma_wait3A_182, %dma_wait3A_183] : memref<2x128x128xf32, #tpu.memory_space<vmem>> -> memref<1x128x128xf32, #tpu.memory_space<vmem>>
    %dma_wait3A_185 = tpu.memref_squeeze %dma_wait3A_184 : memref<1x128x128xf32, #tpu.memory_space<vmem>> -> memref<128x128xf32, #tpu.memory_space<vmem>>
    %dma_wait3A_186 = arith.constant 0 : i32
    %dma_wait3A_187 = tpu.memref_slice %arg6[%dma_wait3A_180, %dma_wait3A_186] : memref<4x128xi32, #tpu.memory_space<vmem>> -> memref<1x128xi32, #tpu.memory_space<vmem>>
    %dma_wait3A_188 = tpu.memref_squeeze %dma_wait3A_187 : memref<1x128xi32, #tpu.memory_space<vmem>> -> memref<128xi32, #tpu.memory_space<vmem>>
    %dma_wait3A_189 = arith.constant 0 : i32
    %dma_wait3A_190 = arith.constant 0 : i32
    %dma_wait3A_191 = tpu.memref_slice %arg2[%dma_wait3A_189, %dma_wait3A_190] : memref<100000x128xf32, #tpu.memory_space<hbm>> -> memref<100000x128xf32, #tpu.memory_space<hbm>>
    tpu.wait_indirect_dma semaphore(%arg10 : memref<!tpu.dma_semaphore, #tpu.memory_space<semaphore_mem>>) src(%dma_wait3A_191 : memref<100000x128xf32, #tpu.memory_space<hbm>>) dst(%dma_wait3A_185 : memref<128x128xf32, #tpu.memory_space<vmem>>)
    %dma_wait3A_192 = arith.constant 3 : i32
    %dma_wait3A_193 = arith.constant 1 : i32
    %dma_wait3A_194 = arith.constant 0 : i32
    %dma_wait3A_195 = arith.constant 0 : i32
    %dma_wait3A_196 = tpu.memref_slice %arg9[%dma_wait3A_193, %dma_wait3A_194, %dma_wait3A_195] : memref<2x128x128xf32, #tpu.memory_space<vmem>> -> memref<1x128x128xf32, #tpu.memory_space<vmem>>
    %dma_wait3A_197 = tpu.memref_squeeze %dma_wait3A_196 : memref<1x128x128xf32, #tpu.memory_space<vmem>> -> memref<128x128xf32, #tpu.memory_space<vmem>>
    %dma_wait3A_198 = arith.constant 0 : i32
    %dma_wait3A_199 = tpu.memref_slice %arg7[%dma_wait3A_192, %dma_wait3A_198] : memref<4x128xi32, #tpu.memory_space<vmem>> -> memref<1x128xi32, #tpu.memory_space<vmem>>
    %dma_wait3A_200 = tpu.memref_squeeze %dma_wait3A_199 : memref<1x128xi32, #tpu.memory_space<vmem>> -> memref<128xi32, #tpu.memory_space<vmem>>
    %dma_wait3A_201 = arith.constant 0 : i32
    %dma_wait3A_202 = arith.constant 0 : i32
    %dma_wait3A_203 = tpu.memref_slice %arg2[%dma_wait3A_201, %dma_wait3A_202] : memref<100000x128xf32, #tpu.memory_space<hbm>> -> memref<100000x128xf32, #tpu.memory_space<hbm>>
    tpu.wait_indirect_dma semaphore(%arg10 : memref<!tpu.dma_semaphore, #tpu.memory_space<semaphore_mem>>) src(%dma_wait3A_203 : memref<100000x128xf32, #tpu.memory_space<hbm>>) dst(%dma_wait3A_197 : memref<128x128xf32, #tpu.memory_space<vmem>>)
    %add3A_204 = arith.constant 384 : i32
    %add3A_205 = arith.addi %mul3A_2, %add3A_204 : i32
    %run_scoped3A_206 = arith.constant 1 : i32
    "tpu.region"() ({
      %run_scoped3A_208 = tpu.sem_alloc : memref<!tpu.dma_semaphore, #tpu.memory_space<semaphore_mem>>
      %dma_start3A_209 = arith.constant 0 : i32
      %dma_start3A_210 = arith.constant 0 : i32
      %dma_start3A_211 = tpu.memref_slice %arg8[%run_scoped3A_206, %dma_start3A_209, %dma_start3A_210] : memref<2x128x128xf32, #tpu.memory_space<vmem>> -> memref<1x128x64xf32, #tpu.memory_space<vmem>>
      %dma_start3A_212 = tpu.memref_squeeze %dma_start3A_211 : memref<1x128x64xf32, #tpu.memory_space<vmem>> -> memref<128x64xf32, #tpu.memory_space<vmem>>
      %dma_start3A_213 = arith.constant 0 : i32
      %dma_start3A_214 = tpu.memref_slice %arg5[%add3A_205, %dma_start3A_213] : memref<16384x128xf32, #tpu.memory_space<hbm>> -> memref<128x64xf32, #tpu.memory_space<hbm>>
      %dma_start3A_215 = arith.constant 0 : i32
      %dma_start3A_216 = tpu.memref_slice %arg5[%add3A_205, %dma_start3A_215] : memref<16384x128xf32, #tpu.memory_space<hbm>> -> memref<128x64xf32, #tpu.memory_space<hbm>>
      %dma_start3A_217 = arith.constant 0 : i32
      %dma_start3A_218 = arith.constant 0 : i32
      %dma_start3A_219 = tpu.memref_slice %arg8[%run_scoped3A_206, %dma_start3A_217, %dma_start3A_218] : memref<2x128x128xf32, #tpu.memory_space<vmem>> -> memref<1x128x64xf32, #tpu.memory_space<vmem>>
      %dma_start3A_220 = tpu.memref_squeeze %dma_start3A_219 : memref<1x128x64xf32, #tpu.memory_space<vmem>> -> memref<128x64xf32, #tpu.memory_space<vmem>>
      tpu.enqueue_dma source(%dma_start3A_220 : memref<128x64xf32, #tpu.memory_space<vmem>>) target(%dma_start3A_216 : memref<128x64xf32, #tpu.memory_space<hbm>>) target_semaphore(%run_scoped3A_208 : memref<!tpu.dma_semaphore, #tpu.memory_space<semaphore_mem>>)
      %dma_wait3A_221 = arith.constant 0 : i32
      %dma_wait3A_222 = arith.constant 0 : i32
      %dma_wait3A_223 = tpu.memref_slice %arg8[%run_scoped3A_206, %dma_wait3A_221, %dma_wait3A_222] : memref<2x128x128xf32, #tpu.memory_space<vmem>> -> memref<1x128x64xf32, #tpu.memory_space<vmem>>
      %dma_wait3A_224 = tpu.memref_squeeze %dma_wait3A_223 : memref<1x128x64xf32, #tpu.memory_space<vmem>> -> memref<128x64xf32, #tpu.memory_space<vmem>>
      %dma_wait3A_225 = arith.constant 0 : i32
      %dma_wait3A_226 = tpu.memref_slice %arg5[%add3A_205, %dma_wait3A_225] : memref<16384x128xf32, #tpu.memory_space<hbm>> -> memref<128x64xf32, #tpu.memory_space<hbm>>
      %dma_wait3A_227 = arith.constant 0 : i32
      %dma_wait3A_228 = tpu.memref_slice %arg5[%add3A_205, %dma_wait3A_227] : memref<16384x128xf32, #tpu.memory_space<hbm>> -> memref<128x64xf32, #tpu.memory_space<hbm>>
      %dma_wait3A_229 = arith.constant 0 : i32
      %dma_wait3A_230 = arith.constant 0 : i32
      %dma_wait3A_231 = tpu.memref_slice %arg8[%run_scoped3A_206, %dma_wait3A_229, %dma_wait3A_230] : memref<2x128x128xf32, #tpu.memory_space<vmem>> -> memref<1x128x64xf32, #tpu.memory_space<vmem>>
      %dma_wait3A_232 = tpu.memref_squeeze %dma_wait3A_231 : memref<1x128x64xf32, #tpu.memory_space<vmem>> -> memref<128x64xf32, #tpu.memory_space<vmem>>
      tpu.wait_dma2 semaphore(%run_scoped3A_208 : memref<!tpu.dma_semaphore, #tpu.memory_space<semaphore_mem>>) src(%dma_wait3A_232 : memref<128x64xf32, #tpu.memory_space<vmem>>) dst(%dma_wait3A_228 : memref<128x64xf32, #tpu.memory_space<hbm>>)
      tpu.yield
    }) : () -> ()
    %run_scoped3A_207 = arith.constant 1 : i32
    "tpu.region"() ({
      %run_scoped3A_208 = tpu.sem_alloc : memref<!tpu.dma_semaphore, #tpu.memory_space<semaphore_mem>>
      %dma_start3A_209 = arith.constant 0 : i32
      %dma_start3A_210 = arith.constant 64 : i32
      %dma_start3A_211 = tpu.memref_slice %arg9[%run_scoped3A_207, %dma_start3A_209, %dma_start3A_210] : memref<2x128x128xf32, #tpu.memory_space<vmem>> -> memref<1x128x64xf32, #tpu.memory_space<vmem>>
      %dma_start3A_212 = tpu.memref_squeeze %dma_start3A_211 : memref<1x128x64xf32, #tpu.memory_space<vmem>> -> memref<128x64xf32, #tpu.memory_space<vmem>>
      %dma_start3A_213 = arith.constant 64 : i32
      %dma_start3A_214 = tpu.memref_slice %arg5[%add3A_205, %dma_start3A_213] : memref<16384x128xf32, #tpu.memory_space<hbm>> -> memref<128x64xf32, #tpu.memory_space<hbm>>
      %dma_start3A_215 = arith.constant 64 : i32
      %dma_start3A_216 = tpu.memref_slice %arg5[%add3A_205, %dma_start3A_215] : memref<16384x128xf32, #tpu.memory_space<hbm>> -> memref<128x64xf32, #tpu.memory_space<hbm>>
      %dma_start3A_217 = arith.constant 0 : i32
      %dma_start3A_218 = arith.constant 64 : i32
      %dma_start3A_219 = tpu.memref_slice %arg9[%run_scoped3A_207, %dma_start3A_217, %dma_start3A_218] : memref<2x128x128xf32, #tpu.memory_space<vmem>> -> memref<1x128x64xf32, #tpu.memory_space<vmem>>
      %dma_start3A_220 = tpu.memref_squeeze %dma_start3A_219 : memref<1x128x64xf32, #tpu.memory_space<vmem>> -> memref<128x64xf32, #tpu.memory_space<vmem>>
      tpu.enqueue_dma source(%dma_start3A_220 : memref<128x64xf32, #tpu.memory_space<vmem>>) target(%dma_start3A_216 : memref<128x64xf32, #tpu.memory_space<hbm>>) target_semaphore(%run_scoped3A_208 : memref<!tpu.dma_semaphore, #tpu.memory_space<semaphore_mem>>)
      %dma_wait3A_221 = arith.constant 0 : i32
      %dma_wait3A_222 = arith.constant 64 : i32
      %dma_wait3A_223 = tpu.memref_slice %arg9[%run_scoped3A_207, %dma_wait3A_221, %dma_wait3A_222] : memref<2x128x128xf32, #tpu.memory_space<vmem>> -> memref<1x128x64xf32, #tpu.memory_space<vmem>>
      %dma_wait3A_224 = tpu.memref_squeeze %dma_wait3A_223 : memref<1x128x64xf32, #tpu.memory_space<vmem>> -> memref<128x64xf32, #tpu.memory_space<vmem>>
      %dma_wait3A_225 = arith.constant 64 : i32
      %dma_wait3A_226 = tpu.memref_slice %arg5[%add3A_205, %dma_wait3A_225] : memref<16384x128xf32, #tpu.memory_space<hbm>> -> memref<128x64xf32, #tpu.memory_space<hbm>>
      %dma_wait3A_227 = arith.constant 64 : i32
      %dma_wait3A_228 = tpu.memref_slice %arg5[%add3A_205, %dma_wait3A_227] : memref<16384x128xf32, #tpu.memory_space<hbm>> -> memref<128x64xf32, #tpu.memory_space<hbm>>
      %dma_wait3A_229 = arith.constant 0 : i32
      %dma_wait3A_230 = arith.constant 64 : i32
      %dma_wait3A_231 = tpu.memref_slice %arg9[%run_scoped3A_207, %dma_wait3A_229, %dma_wait3A_230] : memref<2x128x128xf32, #tpu.memory_space<vmem>> -> memref<1x128x64xf32, #tpu.memory_space<vmem>>
      %dma_wait3A_232 = tpu.memref_squeeze %dma_wait3A_231 : memref<1x128x64xf32, #tpu.memory_space<vmem>> -> memref<128x64xf32, #tpu.memory_space<vmem>>
      tpu.wait_dma2 semaphore(%run_scoped3A_208 : memref<!tpu.dma_semaphore, #tpu.memory_space<semaphore_mem>>) src(%dma_wait3A_232 : memref<128x64xf32, #tpu.memory_space<vmem>>) dst(%dma_wait3A_228 : memref<128x64xf32, #tpu.memory_space<hbm>>)
      tpu.yield
    }) : () -> ()
    return
  }
}

module attributes {stable_mosaic.version = 14 : i64} {
  func.func @_transpose_body(%arg0: i32, %arg1: memref<64x14336xf32, #tpu.memory_space<vmem>>, %arg2: memref<64x14336xf32, #tpu.memory_space<vmem>>, %arg3: memref<64x128xf32, #tpu.memory_space<vmem>>, %arg4: memref<64x128xf32, #tpu.memory_space<vmem>>, %arg5: memref<14336x128xf32, #tpu.memory_space<vmem>>) attributes {dimension_semantics = [#tpu.dimension_semantics<arbitrary>], iteration_bounds = array<i64: 7>, scalar_prefetch = 0 : i64, scratch_operands = 0 : i64, tpu.core_type = #tpu.core_type<tc>, window_params = [{transform_indices = @transform_0, window_bounds = array<i64: 64, 14336>}, {transform_indices = @transform_1, window_bounds = array<i64: 64, 14336>}, {pipeline_mode = #tpu.pipeline_mode<synchronous>, transform_indices = @transform_2, window_bounds = array<i64: 64, 128>}, {pipeline_mode = #tpu.pipeline_mode<synchronous>, transform_indices = @transform_3, window_bounds = array<i64: 64, 128>}, {transform_indices = @transform_4, window_bounds = array<i64: 14336, 128>}]} {
    %get3A = arith.constant 0 : index
    %get3A_0 = arith.constant 0 : index
    %get3A_1 = vector.load %arg1[%get3A, %get3A_0] : memref<64x14336xf32, #tpu.memory_space<vmem>>, vector<64x14336xf32>
    %get3A_2 = arith.constant 0 : index
    %get3A_3 = arith.constant 0 : index
    %get3A_4 = vector.load %arg3[%get3A_2, %get3A_3] : memref<64x128xf32, #tpu.memory_space<vmem>>, vector<64x128xf32>
    %dot_general3A = arith.constant dense<0.000000e+00> : vector<14336x128xf32>
    %dot_general3A_5 = tpu.matmul %get3A_1, %get3A_4, %dot_general3A {dimension_numbers = #tpu.dot_dimension_numbers<[0], [0], [1], [1], [0, 1, 1, 1], [], []>, transpose_lhs_hint = false} : vector<64x14336xf32>, vector<64x128xf32>, vector<14336x128xf32> -> vector<14336x128xf32>
    %get3A_6 = arith.constant 0 : index
    %get3A_7 = arith.constant 0 : index
    %get3A_8 = vector.load %arg2[%get3A_6, %get3A_7] : memref<64x14336xf32, #tpu.memory_space<vmem>>, vector<64x14336xf32>
    %get3A_9 = arith.constant 0 : index
    %get3A_10 = arith.constant 0 : index
    %get3A_11 = vector.load %arg4[%get3A_9, %get3A_10] : memref<64x128xf32, #tpu.memory_space<vmem>>, vector<64x128xf32>
    %dot_general3A_12 = arith.constant dense<0.000000e+00> : vector<14336x128xf32>
    %dot_general3A_13 = tpu.matmul %get3A_8, %get3A_11, %dot_general3A_12 {dimension_numbers = #tpu.dot_dimension_numbers<[0], [0], [1], [1], [0, 1, 1, 1], [], []>, transpose_lhs_hint = false} : vector<64x14336xf32>, vector<64x128xf32>, vector<14336x128xf32> -> vector<14336x128xf32>
    %add3A = arith.addf %dot_general3A_5, %dot_general3A_13 : vector<14336x128xf32>
    %swap3A = arith.constant 0 : index
    %swap3A_14 = arith.constant 0 : index
    %swap3A_15 = vector.load %arg5[%swap3A, %swap3A_14] : memref<14336x128xf32, #tpu.memory_space<vmem>>, vector<14336x128xf32>
    tpu.vector_store %arg5[%swap3A, %swap3A_14], %add3A {strides = array<i32>} : memref<14336x128xf32, #tpu.memory_space<vmem>>, vector<14336x128xf32>,
    return
  }
  func.func @transform_0(%arg0: i32) -> (i32, i32) {
    %c0_i32 = arith.constant 0 : i32
    %c0_i32_0 = arith.constant 0 : i32
    return %c0_i32, %arg0 : i32, i32
  }
  func.func @transform_1(%arg0: i32) -> (i32, i32) {
    %c0_i32 = arith.constant 0 : i32
    %c0_i32_0 = arith.constant 0 : i32
    return %c0_i32, %arg0 : i32, i32
  }
  func.func @transform_2(%arg0: i32) -> (i32, i32) {
    %c0_i32 = arith.constant 0 : i32
    %c0_i32_0 = arith.constant 0 : i32
    %c0_i32_1 = arith.constant 0 : i32
    return %c0_i32, %c0_i32_0 : i32, i32
  }
  func.func @transform_3(%arg0: i32) -> (i32, i32) {
    %c0_i32 = arith.constant 0 : i32
    %c0_i32_0 = arith.constant 0 : i32
    %c0_i32_1 = arith.constant 0 : i32
    return %c0_i32, %c0_i32_0 : i32, i32
  }
  func.func @transform_4(%arg0: i32) -> (i32, i32) {
    %c0_i32 = arith.constant 0 : i32
    %c0_i32_0 = arith.constant 0 : i32
    return %arg0, %c0_i32 : i32, i32
  }
}

module attributes {stable_mosaic.version = 14 : i64} {
  func.func @_mlp_body(%arg0: i32, %arg1: memref<8192x128xf32, #tpu.memory_space<vmem>>, %arg2: memref<128x128xf32, #tpu.memory_space<vmem>>, %arg3: memref<1x128xf32, #tpu.memory_space<vmem>>, %arg4: memref<64x128xf32, #tpu.memory_space<vmem>>, %arg5: memref<1x64xf32, #tpu.memory_space<vmem>>, %arg6: memref<1x64xf32, #tpu.memory_space<vmem>>, %arg7: memref<1xf32, #tpu.memory_space<smem>>, %arg8: memref<8192x1xf32, #tpu.memory_space<vmem>>) attributes {dimension_semantics = [#tpu.dimension_semantics<arbitrary>], iteration_bounds = array<i64: 2>, scalar_prefetch = 0 : i64, scratch_operands = 0 : i64, tpu.core_type = #tpu.core_type<tc>, window_params = [{transform_indices = @transform_0, window_bounds = array<i64: 8192, 128>}, {pipeline_mode = #tpu.pipeline_mode<synchronous>, transform_indices = @transform_1, window_bounds = array<i64: 128, 128>}, {pipeline_mode = #tpu.pipeline_mode<synchronous>, transform_indices = @transform_2, window_bounds = array<i64: 1, 128>}, {pipeline_mode = #tpu.pipeline_mode<synchronous>, transform_indices = @transform_3, window_bounds = array<i64: 64, 128>}, {pipeline_mode = #tpu.pipeline_mode<synchronous>, transform_indices = @transform_4, window_bounds = array<i64: 1, 64>}, {pipeline_mode = #tpu.pipeline_mode<synchronous>, transform_indices = @transform_5, window_bounds = array<i64: 1, 64>}, {transform_indices = @transform_6, window_bounds = array<i64: 1>}, {transform_indices = @transform_7, window_bounds = array<i64: 8192, 1>}]} {
    %get3A = arith.constant 0 : index
    %get3A_0 = arith.constant 0 : index
    %get3A_1 = vector.load %arg1[%get3A, %get3A_0] : memref<8192x128xf32, #tpu.memory_space<vmem>>, vector<8192x128xf32>
    %get3A_2 = arith.constant 0 : index
    %get3A_3 = arith.constant 0 : index
    %get3A_4 = vector.load %arg2[%get3A_2, %get3A_3] : memref<128x128xf32, #tpu.memory_space<vmem>>, vector<128x128xf32>
    %dot_general3A = arith.constant dense<0.000000e+00> : vector<8192x128xf32>
    %dot_general3A_5 = tpu.matmul %get3A_1, %get3A_4, %dot_general3A {dimension_numbers = #tpu.dot_dimension_numbers<[1], [1], [0], [0], [0, 0, 1, 0], [], []>, transpose_lhs_hint = false} : vector<8192x128xf32>, vector<128x128xf32>, vector<8192x128xf32> -> vector<8192x128xf32>
    %get3A_6 = arith.constant 0 : index
    %get3A_7 = arith.constant 0 : index
    %get3A_8 = vector.load %arg3[%get3A_6, %get3A_7] : memref<1x128xf32, #tpu.memory_space<vmem>>, vector<1x128xf32>
    %add3A = vector.broadcast %get3A_8 : vector<1x128xf32> to vector<8192x128xf32>
    %add3A_9 = arith.addf %dot_general3A_5, %add3A : vector<8192x128xf32>
    %max3A = arith.constant 0.000000e+00 : f32
    %max3A_10 = vector.broadcast %max3A : f32 to vector<8192x128xf32>
    %max3A_11 = arith.maximumf %add3A_9, %max3A_10 : vector<8192x128xf32>
    %get3A_12 = arith.constant 0 : index
    %get3A_13 = arith.constant 0 : index
    %get3A_14 = vector.load %arg4[%get3A_12, %get3A_13] : memref<64x128xf32, #tpu.memory_space<vmem>>, vector<64x128xf32>
    %dot_general3A_15 = arith.constant dense<0.000000e+00> : vector<8192x64xf32>
    %dot_general3A_16 = tpu.matmul %max3A_11, %get3A_14, %dot_general3A_15 {dimension_numbers = #tpu.dot_dimension_numbers<[1], [1], [0], [0], [0, 0, 1, 0], [], []>, transpose_lhs_hint = false} : vector<8192x128xf32>, vector<64x128xf32>, vector<8192x64xf32> -> vector<8192x64xf32>
    %get3A_17 = arith.constant 0 : index
    %get3A_18 = arith.constant 0 : index
    %get3A_19 = vector.load %arg5[%get3A_17, %get3A_18] : memref<1x64xf32, #tpu.memory_space<vmem>>, vector<1x64xf32>
    %add3A_20 = vector.broadcast %get3A_19 : vector<1x64xf32> to vector<8192x64xf32>
    %add3A_21 = arith.addf %dot_general3A_16, %add3A_20 : vector<8192x64xf32>
    %max3A_22 = arith.constant 0.000000e+00 : f32
    %max3A_23 = vector.broadcast %max3A_22 : f32 to vector<8192x64xf32>
    %max3A_24 = arith.maximumf %add3A_21, %max3A_23 : vector<8192x64xf32>
    %get3A_25 = arith.constant 0 : index
    %get3A_26 = arith.constant 0 : index
    %get3A_27 = vector.load %arg6[%get3A_25, %get3A_26] : memref<1x64xf32, #tpu.memory_space<vmem>>, vector<1x64xf32>
    %mul3A = vector.broadcast %get3A_27 : vector<1x64xf32> to vector<8192x64xf32>
    %mul3A_28 = arith.mulf %max3A_24, %mul3A : vector<8192x64xf32>
    %reduce_sum3A = arith.constant dense<0.000000e+00> : vector<8192xf32>
    %reduce_sum3A_29 = vector.multi_reduction <add>, %mul3A_28, %reduce_sum3A [1] : vector<8192x64xf32> to vector<8192xf32>
    %broadcast_in_dim3A = vector.shape_cast %reduce_sum3A_29 : vector<8192xf32> to vector<8192x1xf32>
    %get3A_30 = arith.constant 0 : index
    %get3A_31 = memref.load %arg7[%get3A_30] : memref<1xf32, #tpu.memory_space<smem>>
    %add3A_32 = vector.broadcast %get3A_31 : f32 to vector<8192x1xf32>
    %add3A_33 = arith.addf %broadcast_in_dim3A, %add3A_32 : vector<8192x1xf32>
    %swap3A = arith.constant 0 : index
    %swap3A_34 = arith.constant 0 : index
    %swap3A_35 = vector.load %arg8[%swap3A, %swap3A_34] : memref<8192x1xf32, #tpu.memory_space<vmem>>, vector<8192x1xf32>
    tpu.vector_store %arg8[%swap3A, %swap3A_34], %add3A_33 {strides = array<i32>} : memref<8192x1xf32, #tpu.memory_space<vmem>>, vector<8192x1xf32>,
    return
  }
  func.func @transform_0(%arg0: i32) -> (i32, i32) {
    %c0_i32 = arith.constant 0 : i32
    %c0_i32_0 = arith.constant 0 : i32
    return %arg0, %c0_i32 : i32, i32
  }
  func.func @transform_1(%arg0: i32) -> (i32, i32) {
    %c0_i32 = arith.constant 0 : i32
    %c0_i32_0 = arith.constant 0 : i32
    %c0_i32_1 = arith.constant 0 : i32
    return %c0_i32, %c0_i32_0 : i32, i32
  }
  func.func @transform_2(%arg0: i32) -> (i32, i32) {
    %c0_i32 = arith.constant 0 : i32
    %c0_i32_0 = arith.constant 0 : i32
    %c0_i32_1 = arith.constant 0 : i32
    return %c0_i32, %c0_i32_0 : i32, i32
  }
  func.func @transform_3(%arg0: i32) -> (i32, i32) {
    %c0_i32 = arith.constant 0 : i32
    %c0_i32_0 = arith.constant 0 : i32
    %c0_i32_1 = arith.constant 0 : i32
    return %c0_i32, %c0_i32_0 : i32, i32
  }
  func.func @transform_4(%arg0: i32) -> (i32, i32) {
    %c0_i32 = arith.constant 0 : i32
    %c0_i32_0 = arith.constant 0 : i32
    %c0_i32_1 = arith.constant 0 : i32
    return %c0_i32, %c0_i32_0 : i32, i32
  }
  func.func @transform_5(%arg0: i32) -> (i32, i32) {
    %c0_i32 = arith.constant 0 : i32
    %c0_i32_0 = arith.constant 0 : i32
    %c0_i32_1 = arith.constant 0 : i32
    return %c0_i32, %c0_i32_0 : i32, i32
  }
  func.func @transform_6(%arg0: i32) -> i32 {
    %c0_i32 = arith.constant 0 : i32
    %c0_i32_0 = arith.constant 0 : i32
    return %c0_i32 : i32
  }
  func.func @transform_7(%arg0: i32) -> (i32, i32) {
    %c0_i32 = arith.constant 0 : i32
    %c0_i32_0 = arith.constant 0 : i32
    return %arg0, %c0_i32 : i32, i32
  }
}

</mosaic_0001>

<sc_bundles>
// kernel: kernel.5.cloned.1.call-start
scs
__scs_entry_jumppad:
0x0: {  	(pc) =	sbr.rel $0x88, $3  }
0x1: {  	(tag) =	ssettag $0x0;
	lr =	simm.s32 $0x1  }
0x2: {  	[smem:$0x3F97] =	sst lr;
	_ =	strace $0xD0000000  }
0x3: {  	_ = 	snop  }
0x4: {  	_ = 	snop  }
0x5: {  	_ = 	snop  }
0x6: {  	_ = 	snop  }
0x7: {  	_ = 	snop  }
__scs_overlays_trampoline_lowered:
0x8: {  	[smem:$0x3FA6] =	sst s0  }
0x9: {  	[smem:$0x3FA7] =	sst s1  }
0xa: {  	[smem:$0x3FA8] =	sst s2  }
0xb: {  	[smem:$0x3FA9] =	sst s3  }
0xc: {  	[smem:$0x3FAA] =	sst s4  }
0xd: {  	[smem:$0x3FAB] =	sst s5  }
0xe: {  	[smem:$0x3FAC] =	sst s6  }
0xf: {  	[smem:$0x3FAD] =	sst s7  }
0x10: {  	[smem:$0x3FAE] =	sst s8  }
0x11: {  	[smem:$0x3FAF] =	sst s9;
	s0 =	simm.s32 @!p0 $0x0  }
0x12: {  	s1 =	sld [smem:$0x3F95];
	s0 =	simm.s32 @p0 $0x1  }
0x13: {  	[smem:$0x3FB0] =	sst s0;
	s0 =	simm.s32 @!p1 $0x0  }
0x14: {  	s2 =	sld [smem:$0x3F94];
	s0 =	simm.s32 @p1 $0x1  }
0x15: {  	[smem:$0x3FB1] =	sst s0;
	s0 =	simm.s32 @!p2 $0x0  }
0x16: {  	s3 =	sld [smem:$0x3FDB];
	s0 =	simm.s32 @p2 $0x1  }
0x17: {  	s4 =	simm.s32 $0x1BF5;
	[smem:$0x3FB3] =	sst s0  }
0x18: {  	s0 =	sld [smem:$0x3F96];
	_ =	swait.ge [sflag:s4], $0x0  }
0x19: {  	s7 =	sld [smem:$0x3F97]  }
0x1a: {  	s8 =	sadd.s32 $0xFFFFE003, lr  }
0x1b: {  	s9 =	sadd.s32 $0xFFFFFEF7, lr;
	s5 =	simm.s32 $0xFFFFFFFF;
	p2 =	slt.u32 s8, $0xFFFFF086  }
0x1c: {  	p1 =	slt.u32 s9, $0xF7A;
	s5 =	simm.s32 @!p2 $0x0  }
0x1d: {  	s5 =	simm.s32 @p1 $0x1;
	p0 =	seq.s32 s7, s2  }
0x1e: {  	s7 =	smul.u32 @!p0 $0xF7A, s2;
	p2 =	seq.s32 @!p0 s5, $0x0  }
0x1f: {  	s9 =	smul.u32 $0xF7A, s1;
	s8 =	simm.s32 @!p0 $0x1BF5;
	p2 =	por !p2, p0  }
0x20: {  	[sflag:s8] =	ssyncset.s32 @!p0 $0xFFFFF086;
	s6 =	sadd.s32 @!p0 s3, s7;
	s7 =	simm.s32 @!p0 $0x108  }
0x21: {  	s3 =	sadd.s32 s3, s9;
	s6 =	sadd.s32 @!p0 $0x88, s6;
	s7 =	simm.s32 @p2 $0x1082  }
0x22: {  	[simem:s7], [sflag:s8] =	dma.local @!p0 [hbm:s6], $0xF7A  }
0x23: {  	s9 =	sor.u32 $0xD0000000, s2;
	s6 =	simm.s32 $0x108;
	_ =	swait.ge @!p0 [sflag:s8], $0x0  }
0x24: {  	s3 =	sadd.s32 $0x88, s3;
	s6 =	simm.s32 @!p1 $0x1082;
	[sflag:s4] =	ssyncset.s32 $0xFFFFF086  }
0x25: {  	[simem:s6], [sflag:s4] =	dma.local [hbm:s3], $0xF7A  }
0x26: {  	[smem:$0x3F97] =	sst s1;
	(tag) =	ssettag s2;
	_ =	strace s9  }
0x27: {  	s1 =	sld [smem:$0x3FA7]  }
0x28: {  	s2 =	sld [smem:$0x3FA8]  }
0x29: {  	s4 =	sld [smem:$0x3FAA]  }
0x2a: {  	p0 =	seq.s32 s5, $0x0;
	s5 =	sld [smem:$0x3FAB]  }
0x2b: {  	s6 =	sld [smem:$0x3FAC]  }
0x2c: {  	s7 =	sld [smem:$0x3FAD]  }
0x2d: {  	s3 =	simm.s32 $0x108;
	s8 =	sld [smem:$0x3FAE]  }
0x2e: {  	s3 =	simm.s32 @!p0 $0x1082;
	s9 =	sld [smem:$0x3FAF]  }
0x2f: {  	lr =	sadd.s32 s0, s3;
	s0 =	sld [smem:$0x3FA6]  }
0x30: {  	s3 =	sld [smem:$0x3FA9]  }
0x31: {  	[smem:$0x3FB2] =	sst s10  }
0x32: {  	s10 =	sld [smem:$0x3FB0];
	_ =	sdelay $0x3  }
0x33: {  	p0 =	seq.s32 s10, $0x1;
	s10 =	sld [smem:$0x3FB2];
	_ =	sdelay $0x3  }
0x34: {  	[smem:$0x3FB2] =	sst s10  }
0x35: {  	s10 =	sld [smem:$0x3FB1];
	_ =	sdelay $0x3  }
0x36: {  	p1 =	seq.s32 s10, $0x1;
	s10 =	sld [smem:$0x3FB2];
	_ =	sdelay $0x3  }
0x37: {  	[smem:$0x3FB2] =	sst s10  }
0x38: {  	s10 =	sld [smem:$0x3FB3]  }
0x39: {  	_ = 	snop;
	(pc) =	sbr.ind lr, $3  }
0x3a: {  	_ = 	snop  }
0x3b: {  	_ = 	snop  }
0x3c: {  	p2 =	seq.s32 s10, $0x1;
	s10 =	sld [smem:$0x3FB2]  }
0x3d: {  	_ =	shalt  }
0x3e: {  	_ =	shalt  }
0x3f: {  	_ =	shalt  }
0x40: {  	_ =	shalt  }
0x41: {  	_ =	shalt  }
0x42: {  	_ =	shalt  }
0x43: {  	_ =	shalt  }
0x44: {  	_ =	shalt  }
0x45: {  	_ =	shalt  }
0x46: {  	_ =	shalt  }
0x47: {  	_ =	shalt  }
0x48: {  	_ =	shalt  }
0x49: {  	_ =	shalt  }
0x4a: {  	_ =	shalt  }
0x4b: {  	_ =	shalt  }
0x4c: {  	_ =	shalt  }
0x4d: {  	_ =	shalt  }
0x4e: {  	_ =	shalt  }
0x4f: {  	_ =	shalt  }
0x50: {  	_ =	shalt  }
0x51: {  	_ =	shalt  }
0x52: {  	_ =	shalt  }
0x53: {  	_ =	shalt  }
0x54: {  	_ =	shalt  }
0x55: {  	_ =	shalt  }
0x56: {  	_ =	shalt  }
0x57: {  	_ =	shalt  }
0x58: {  	_ =	shalt  }
0x59: {  	_ =	shalt  }
0x5a: {  	_ =	shalt  }
0x5b: {  	_ =	shalt  }
0x5c: {  	_ =	shalt  }
0x5d: {  	_ =	shalt  }
0x5e: {  	_ =	shalt  }
0x5f: {  	_ =	shalt  }
0x60: {  	_ =	shalt  }
0x61: {  	_ =	shalt  }
0x62: {  	_ =	shalt  }
0x63: {  	_ =	shalt  }
0x64: {  	_ =	shalt  }
0x65: {  	_ =	shalt  }
0x66: {  	_ =	shalt  }
0x67: {  	_ =	shalt  }
0x68: {  	_ =	shalt  }
0x69: {  	_ =	shalt  }
0x6a: {  	_ =	shalt  }
0x6b: {  	_ =	shalt  }
0x6c: {  	_ =	shalt  }
0x6d: {  	_ =	shalt  }
0x6e: {  	_ =	shalt  }
0x6f: {  	_ =	shalt  }
0x70: {  	_ =	shalt  }
0x71: {  	_ =	shalt  }
0x72: {  	_ =	shalt  }
0x73: {  	_ =	shalt  }
0x74: {  	_ =	shalt  }
0x75: {  	_ =	shalt  }
0x76: {  	_ =	shalt  }
0x77: {  	_ =	shalt  }
0x78: {  	_ =	shalt  }
0x79: {  	_ =	shalt  }
0x7a: {  	_ =	shalt  }
0x7b: {  	_ =	shalt  }
0x7c: {  	_ =	shalt  }
0x7d: {  	_ =	shalt  }
0x7e: {  	_ =	shalt  }
0x7f: {  	_ =	shalt  }
0x80: {  	_ =	shalt  }
0x81: {  	_ =	shalt  }
0x82: {  	_ =	shalt  }
0x83: {  	_ =	shalt  }
0x84: {  	_ =	shalt  }
0x85: {  	_ =	shalt  }
0x86: {  	_ =	shalt  }
0x87: {  	_ =	shalt  }
.Lfunc_end0:
.L_simem_size_0:
called_computation_lowered:
.L_overlay_start_0:
0x88: {  	s2 =	sld [smem:$0x3FD9]  }
0x89: {  	s3 =	sld [smem:$0x3FFE];
	_ =	sdelay $0x1  }
0x8a: {  	s1 =	srdreg.scid  }
0x8b: {  	s0 =	sand.u32 $0x1, s1  }
0x8c: {  	s17 =	sshll.u32 s0, $0xA;
	s2 =	sadd.s32 s3, s2  }
0x8d: {  	s2 =	sadd.s32 s2, s17  }
0x8e: {  	[smem:$0x3FBE] =	sst s2  }
0x8f: {  	_ = 	snop  }
0x90: {  	s2 =	sld [smem:$0x3FC9]  }
0x91: {  	s18 =	sld [smem:$0x3FC8];
	(tm) =	ssettm $0x1  }
0x92: {  	s4 =	sld [smem:$0x3FFB];
	_ =	sdelay $0x3  }
0x93: {  	_ =	strace s4  }
0x94: {  	s4 =	sld [smem:$0x3FFC];
	_ =	sdelay $0x3  }
0x95: {  	_ =	strace s4  }
0x96: {  	s4 =	sld [smem:$0x3FFD];
	_ =	sdelay $0x3  }
0x97: {  	_ =	strace s4  }
0x98: {  	_ =	strace $0x8FFFFFFF  }
0x99: {  	s19 =	sld [smem:$0x3FDB];
	_ =	sdelay $0x1  }
0x9a: {  	s5 =	simm.s32 $_scs_section_size  }
0x9b: {  	s6 =	simm.s32 $_size__tile_overlayer_lowered;
	s7 =	simm.s32 $_tile_overlayer_lowered  }
0x9c: {  	s22 =	simm.s32 $0x1BFF;
	s21 =	sshll.u32 s7, $0x1;
	s4 =	sadd.s32 s5, s19  }
0x9d: {  	s8 =	simm.s32 $0x0;
	s20 =	sshll.u32 s6, $0x1;
	s6 =	sadd.s32 s21, s4  }
0x9e: {  	[timem:s8], [sflag:s22] =	dma.local [hbm:s6], s20  }
0x9f: {  	_ =	swait.ge [sflag:s22], s20  }
0xa0: {  	s5 =	ssub.s32 $0x0, s20;
	[sflag:s22] =	ssyncset.done $0x0  }
0xa1: {  	[sflag:s22] =	ssyncadd.s32 s5;
	_ =	sdelay $0x1  }
0xa2: {  	s23 =	simm.s32 $0x1B8B  }
0xa3: {  	_ =	swait.ge [sflag:s23], $0x1  }
0xa4: {  	[sflag:s23] =	ssyncset.done $0x0  }
0xa5: {  	s25 =	simm.s32 $0x1B8E;
	s24 =	sld [smem:$0x3FFE];
	[sflag:s23] =	ssyncadd.s32 $0xFFFFFFFF  }
0xa6: {  	s26 =	simm.s32 $execute0_lowered;
	[smem:$0x3FD2] =	sst s25  }
0xa7: {  	s6 =	sshll.u32 s26, $0x1;
	_ =	strace $0x80000046;
	[dreg:$0x1] =	wrdreg $0xFFFFFFFF  }
0xa8: {  	s28 =	simm.s32 $_size_execute0_lowered;
	s4 =	sadd.s32 s4, s6;
	[dreg:$0x0] =	wrdreg $0x0  }
0xa9: {  	s6 =	sshll.u32 s28, $0x1;
	[dreg:$0x2] =	wrdreg s4  }
0xaa: {  	[dreg:$0x3] =	wrdreg s6  }
0xab: {  	[dreg:$0x4] =	wrdreg $0xC0  }
0xac: {  	_ =	task [dreg:s8], $0x5FFFF  }
0xad: {  	[dreg:$0x1] =	wrdreg $0xFFFFFFFF  }
0xae: {  	[dreg:$0x0] =	wrdreg $0x60  }
0xaf: {  	[dreg:$0x2] =	wrdreg s24  }
0xb0: {  	[dreg:$0x3] =	wrdreg s2  }
0xb1: {  	[dreg:$0x4] =	wrdreg s18  }
0xb2: {  	[dreg:$0x5] =	wrdreg $0x9  }
0xb3: {  	_ =	task.clear_ibuf [dreg:s8], $0x6FFFF;
	_ =	strace $0x90000046  }
0xb4: {  	s29 =	simm.s32 $0x9;
	_ =	strace $0x80000048  }
0xb5: {  	_ =	swait.ge [sflag:s29], $0x1  }
0xb6: {  	[sflag:s29] =	ssyncadd.s32 $0xFFFFFFFF  }
0xb7: {  	_ =	strace $0x90000048  }
0xb8: {  	_ =	sfence  }
0xb9: {  	s30 =	sld [smem:$0x0];
	_ =	sdelay $0x2  }
0xba: {  	s31 =	sshll.u32 s1, $0xD;
	s1 =	sshrl.u32 s1, $0x2  }
0xbb: {  	s3 =	sand.u32 $0x4000, s31;
	s1 =	sadd.s32 s1, s30  }
0xbc: {  	s0 =	sor.u32 s3, s0;
	s1 =	sshll.u32 s1, $0x11  }
0xbd: {  	s0 =	sor.u32 s1, s0  }
0xbe: {  	s0 =	sadd.s32 $0x8F2B, s0  }
0xbf: {  	[sflag:s0] =	ssyncadd.remote.s32 $0x1  }
0xc0: {  	_ =	sfence.sel $0xFFFF  }
0xc1: {  	[dreg:$0x0] =	wrdreg $0xFFFFFFFF;
	(pc) =	sbr.abs _section_cstart, $3  }
0xc2: {  	[dreg:$0x1] =	wrdreg $0xFFFFFFFF  }
0xc3: {  	_ =	task.clear_ibuf [dreg:s8], $0x2FFFF;
	_ =	strace $0x9FFFFFFF  }
0xc4: {  	(tm) =	ssettm $0x7FFFFFFF  }
0xc5: {  	_ =	shalt  }
tec
execute0_lowered:
.L_overlay_start_1:
0x0: {  	(tag) =	ssettag $0x1  }
0x1: {  	s0 =	rddreg [dreg:$0x0]  }
0x2: {  	s1 =	rddreg [dreg:$0x1]  }
0x3: {  	s11 =	rddreg [dreg:$0x2]  }
0x4: {  	s2 =	srdreg.scid;
	s4 =	stileid.u32  }
0x5: {  	s15 =	simm.s32 $0x2;
	s16 =	simm.s32 $0x200;
	s17 =	simm.s32 $0x80  }
0x6: {  	s18 =	simm.s32 $0x8400;
	s19 =	simm.s32 $0x4400;
	s20 =	simm.s32 $0x280  }
0x7: {  	s21 =	simm.s32 $0xC400;
	s22 =	simm.s32 $0x1;
	s23 =	simm.s32 $0x100  }
0x8: {  	s24 =	simm.s32 $0x400;
	s25 =	simm.s32 $0x300;
	s26 =	simm.s32 $0x180  }
0x9: {  	s28 =	simm.s32 $0x380;
	s29 =	simm.s32 $0x0;
	s3 =	sand.u32 $0x1, s2  }
0xa: {  	s2 =	simm.s32 $0x0;
	s4 =	sshll.u32 s4, $0xA;
	s5 =	sshll.u32 s3, $0x9  }
0xb: {  	[smem:$0x7FF] =	sst s2;
	s6 =	ssub.s32 $0x2, s3;
	s4 =	sor.u32 s5, s4  }
0xc: {  	s3 =	sadd.s32 $0x1600, s0;
	_ =	strace $0x80000047;
	s5 =	sshll.u32 s4, $0x4  }
0xd: {  	s31 =	sshrl.u32 s6, $0x1;
	s12 =	sshrl.u32 s4, $0x3;
	s0 =	sadd.s32 s5, s0  }
0xe: {  	s14 =	ssub.s32 s6, s31;
	s5 =	sadd.s32 s1, s12;
	s4 =	sadd.s32 $0x188008, s0  }
0xf: {  	s11 =	sadd.s32 s11, s12;
	s6 =	sadd.s32 $0x188800, s0;
	s7 =	sadd.s32 $0x188808, s0  }
0x10: {  	s8 =	sadd.s32 $0x188000, s0;
	s9 =	sadd.s32 $0x189000, s0;
	s10 =	sadd.s32 $0x189008, s0  }
0x11: {  	s14 =	smax.u32 s14, $0x1;
	s12 =	sadd.s32 $0x189800, s0;
	s13 =	sadd.s32 $0x189808, s0  }
.LBB2_1:
0x12: {  	[tilespmem:s2], [sflag:$0x2] =	stream.linear.gather [hbm4b:s5+s2], $0x200, $0x38;
	[tilespmem:$0x10400] =	vst v63  }
0x13: {  	_ =	swait.ge [sflag:s15], $0x200  }
0x14: {  	[sflag:s15] =	ssyncset.done $0x0  }
0x15: {  	[sflag:s15] =	ssyncadd.s32 $0xFFFFFE00  }
0x16: {  	[tilespmem:s16], [sflag:$0x2] =	stream.linear.gather [hbm4b:s11+s2], $0x200, $0x38;
	[tilespmem:$0x10400] =	vst v63  }
0x17: {  	_ =	swait.ge [sflag:s15], $0x200  }
0x18: {  	[sflag:s15] =	ssyncset.done $0x0  }
0x19: {  	[sflag:s15] =	ssyncadd.s32 $0xFFFFFE00  }
0x1a: {  	[tilespmem:s24], [sflag:$0x1] =	stream.indirect.gather [hbm4b:s3+s17], $0x80, s2, s17, $0xb8;
	[tilespmem:$0x10400] =	vst v63  }
0x1b: {  	_ = 	snop  }
0x1c: {  	[tilespmem:s18], [sflag:$0x1] =	stream.indirect.gather [hbm4b:s3+s17], $0x80, s16, s17, $0xb8;
	[tilespmem:$0x10400] =	vst v63  }
0x1d: {  	_ = 	snop  }
0x1e: {  	[tilespmem:s19], [sflag:$0x1] =	stream.indirect.gather [hbm4b:s3+s17], $0x80, s17, s17, $0xb8;
	[tilespmem:$0x10400] =	vst v63  }
0x1f: {  	_ = 	snop  }
0x20: {  	[tilespmem:s21], [sflag:$0x1] =	stream.indirect.gather [hbm4b:s3+s17], $0x80, s20, s17, $0xb8;
	[tilespmem:$0x10400] =	vst v63  }
0x21: {  	_ =	swait.ge [sflag:s22], $0x4000  }
0x22: {  	[sflag:s22] =	ssyncset.done $0x0  }
0x23: {  	[sflag:s22] =	ssyncadd.s32 $0xFFFFC000  }
0x24: {  	_ =	swait.ge [sflag:s22], $0x4000  }
0x25: {  	s30 =	simm.s32 $0x10;
	s1 =	sadd.s32 $0x0, s8;
	[sflag:s22] =	ssyncset.done $0x0  }
0x26: {  	s31 =	simm.s32 $0x480;
	s0 =	simm.s32 $0x400;
	[sflag:s22] =	ssyncadd.s32 $0xFFFFC000  }
.LBB2_2:
0x27: {  	[hbm4b:s1+s2] =	stream.linear.scatter [tilespmem:s0], [sflag:$0x2], $0x40, $0x38;
	[tilespmem:$0x10400] =	vst v63  }
0x28: {  	s1 =	smov.u32 s30;
	s0 =	smov.u32 s31;
	p0 =	sne.s32 s30, $0x7F0  }
.Ltmp0:
0x29: {  	s30 =	sadd.s32 $0x10, s30;
	(pc) =	sbr.rel @p0 .LBB2_2-.Ltmp0, $2  }
0x2a: {  	_ =	sdelay $0x2  }
0x2b: {  	s31 =	sadd.s32 $0x80, s31;
	s1 =	sadd.s32 s1, s8  }
0x2c: {  	[hbm4b:s1+s2] =	stream.linear.scatter [tilespmem:s0], [sflag:$0x2], $0x40, $0x38;
	[tilespmem:$0x10400] =	vst v63  }
0x2d: {  	_ =	swait.ge [sflag:s15], $0x2000  }
0x2e: {  	s30 =	simm.s32 $0x8440;
	s31 =	simm.s32 $0x10;
	[sflag:s15] =	ssyncset.done $0x0  }
0x2f: {  	s1 =	sadd.s32 $0x0, s4;
	s0 =	simm.s32 $0x84C0;
	[sflag:s15] =	ssyncadd.s32 $0xFFFFE000  }
.LBB2_4:
0x30: {  	[hbm4b:s1+s2] =	stream.linear.scatter [tilespmem:s30], [sflag:$0x2], $0x40, $0x38;
	[tilespmem:$0x10400] =	vst v63  }
0x31: {  	s1 =	smov.u32 s31;
	s30 =	smov.u32 s0;
	p0 =	sne.s32 s31, $0x7F0  }
.Ltmp1:
0x32: {  	s31 =	sadd.s32 $0x10, s31;
	(pc) =	sbr.rel @p0 .LBB2_4-.Ltmp1, $2  }
0x33: {  	_ =	sdelay $0x2  }
0x34: {  	s0 =	sadd.s32 $0x80, s0;
	s1 =	sadd.s32 s1, s4  }
0x35: {  	[hbm4b:s1+s2] =	stream.linear.scatter [tilespmem:s30], [sflag:$0x2], $0x40, $0x38;
	[tilespmem:$0x10400] =	vst v63  }
0x36: {  	_ =	swait.ge [sflag:s15], $0x2000  }
0x37: {  	[sflag:s15] =	ssyncset.done $0x0  }
0x38: {  	[sflag:s15] =	ssyncadd.s32 $0xFFFFE000  }
0x39: {  	[tilespmem:s24], [sflag:$0x1] =	stream.indirect.gather [hbm4b:s3+s17], $0x80, s23, s17, $0xb8;
	[tilespmem:$0x10400] =	vst v63  }
0x3a: {  	_ = 	snop  }
0x3b: {  	[tilespmem:s18], [sflag:$0x1] =	stream.indirect.gather [hbm4b:s3+s17], $0x80, s25, s17, $0xb8;
	[tilespmem:$0x10400] =	vst v63  }
0x3c: {  	_ =	swait.ge [sflag:s22], $0x4000  }
0x3d: {  	[sflag:s22] =	ssyncset.done $0x0  }
0x3e: {  	[sflag:s22] =	ssyncadd.s32 $0xFFFFC000  }
0x3f: {  	_ =	swait.ge [sflag:s22], $0x4000  }
0x40: {  	s30 =	simm.s32 $0x4400;
	s31 =	simm.s32 $0x10;
	[sflag:s22] =	ssyncset.done $0x0  }
0x41: {  	s1 =	sadd.s32 $0x0, s6;
	s0 =	simm.s32 $0x4480;
	[sflag:s22] =	ssyncadd.s32 $0xFFFFC000  }
.LBB2_6:
0x42: {  	[hbm4b:s1+s2] =	stream.linear.scatter [tilespmem:s30], [sflag:$0x2], $0x40, $0x38;
	[tilespmem:$0x10400] =	vst v63  }
0x43: {  	s1 =	smov.u32 s31;
	s30 =	smov.u32 s0;
	p0 =	sne.s32 s31, $0x7F0  }
.Ltmp2:
0x44: {  	s31 =	sadd.s32 $0x10, s31;
	(pc) =	sbr.rel @p0 .LBB2_6-.Ltmp2, $2  }
0x45: {  	_ =	sdelay $0x2  }
0x46: {  	s0 =	sadd.s32 $0x80, s0;
	s1 =	sadd.s32 s1, s6  }
0x47: {  	[hbm4b:s1+s2] =	stream.linear.scatter [tilespmem:s30], [sflag:$0x2], $0x40, $0x38;
	[tilespmem:$0x10400] =	vst v63  }
0x48: {  	_ =	swait.ge [sflag:s15], $0x2000  }
0x49: {  	s30 =	simm.s32 $0xC440;
	s31 =	simm.s32 $0x10;
	[sflag:s15] =	ssyncset.done $0x0  }
0x4a: {  	s1 =	sadd.s32 $0x0, s7;
	s0 =	simm.s32 $0xC4C0;
	[sflag:s15] =	ssyncadd.s32 $0xFFFFE000  }
.LBB2_8:
0x4b: {  	[hbm4b:s1+s2] =	stream.linear.scatter [tilespmem:s30], [sflag:$0x2], $0x40, $0x38;
	[tilespmem:$0x10400] =	vst v63  }
0x4c: {  	s1 =	smov.u32 s31;
	s30 =	smov.u32 s0;
	p0 =	sne.s32 s31, $0x7F0  }
.Ltmp3:
0x4d: {  	s31 =	sadd.s32 $0x10, s31;
	(pc) =	sbr.rel @p0 .LBB2_8-.Ltmp3, $2  }
0x4e: {  	_ =	sdelay $0x2  }
0x4f: {  	s0 =	sadd.s32 $0x80, s0;
	s1 =	sadd.s32 s1, s7  }
0x50: {  	[hbm4b:s1+s2] =	stream.linear.scatter [tilespmem:s30], [sflag:$0x2], $0x40, $0x38;
	[tilespmem:$0x10400] =	vst v63  }
0x51: {  	_ =	swait.ge [sflag:s15], $0x2000  }
0x52: {  	[sflag:s15] =	ssyncset.done $0x0  }
0x53: {  	[sflag:s15] =	ssyncadd.s32 $0xFFFFE000  }
0x54: {  	[tilespmem:s19], [sflag:$0x1] =	stream.indirect.gather [hbm4b:s3+s17], $0x80, s26, s17, $0xb8;
	[tilespmem:$0x10400] =	vst v63  }
0x55: {  	_ = 	snop  }
0x56: {  	[tilespmem:s21], [sflag:$0x1] =	stream.indirect.gather [hbm4b:s3+s17], $0x80, s28, s17, $0xb8;
	[tilespmem:$0x10400] =	vst v63  }
0x57: {  	_ =	swait.ge [sflag:s22], $0x4000  }
0x58: {  	[sflag:s22] =	ssyncset.done $0x0  }
0x59: {  	[sflag:s22] =	ssyncadd.s32 $0xFFFFC000  }
0x5a: {  	_ =	swait.ge [sflag:s22], $0x4000  }
0x5b: {  	s30 =	simm.s32 $0x400;
	s31 =	simm.s32 $0x10;
	[sflag:s22] =	ssyncset.done $0x0  }
0x5c: {  	s1 =	sadd.s32 $0x0, s9;
	s0 =	simm.s32 $0x480;
	[sflag:s22] =	ssyncadd.s32 $0xFFFFC000  }
.LBB2_10:
0x5d: {  	[hbm4b:s1+s2] =	stream.linear.scatter [tilespmem:s30], [sflag:$0x2], $0x40, $0x38;
	[tilespmem:$0x10400] =	vst v63  }
0x5e: {  	s1 =	smov.u32 s31;
	s30 =	smov.u32 s0;
	p0 =	sne.s32 s31, $0x7F0  }
.Ltmp4:
0x5f: {  	s31 =	sadd.s32 $0x10, s31;
	(pc) =	sbr.rel @p0 .LBB2_10-.Ltmp4, $2  }
0x60: {  	_ =	sdelay $0x2  }
0x61: {  	s0 =	sadd.s32 $0x80, s0;
	s1 =	sadd.s32 s1, s9  }
0x62: {  	[hbm4b:s1+s2] =	stream.linear.scatter [tilespmem:s30], [sflag:$0x2], $0x40, $0x38;
	[tilespmem:$0x10400] =	vst v63  }
0x63: {  	_ =	swait.ge [sflag:s15], $0x2000  }
0x64: {  	s30 =	simm.s32 $0x8440;
	s31 =	simm.s32 $0x10;
	[sflag:s15] =	ssyncset.done $0x0  }
0x65: {  	s1 =	sadd.s32 $0x0, s10;
	s0 =	simm.s32 $0x84C0;
	[sflag:s15] =	ssyncadd.s32 $0xFFFFE000  }
.LBB2_12:
0x66: {  	[hbm4b:s1+s2] =	stream.linear.scatter [tilespmem:s30], [sflag:$0x2], $0x40, $0x38;
	[tilespmem:$0x10400] =	vst v63  }
0x67: {  	s1 =	smov.u32 s31;
	s30 =	smov.u32 s0;
	p0 =	sne.s32 s31, $0x7F0  }
.Ltmp5:
0x68: {  	s31 =	sadd.s32 $0x10, s31;
	(pc) =	sbr.rel @p0 .LBB2_12-.Ltmp5, $2  }
0x69: {  	_ =	sdelay $0x2  }
0x6a: {  	s0 =	sadd.s32 $0x80, s0;
	s1 =	sadd.s32 s1, s10  }
0x6b: {  	[hbm4b:s1+s2] =	stream.linear.scatter [tilespmem:s30], [sflag:$0x2], $0x40, $0x38;
	[tilespmem:$0x10400] =	vst v63  }
0x6c: {  	_ =	swait.ge [sflag:s15], $0x2000  }
0x6d: {  	[sflag:s15] =	ssyncset.done $0x0  }
0x6e: {  	[sflag:s15] =	ssyncadd.s32 $0xFFFFE000  }
0x6f: {  	_ =	swait.ge [sflag:s22], $0x4000  }
0x70: {  	[sflag:s22] =	ssyncset.done $0x0  }
0x71: {  	[sflag:s22] =	ssyncadd.s32 $0xFFFFC000  }
0x72: {  	_ =	swait.ge [sflag:s22], $0x4000  }
0x73: {  	s30 =	simm.s32 $0x4400;
	s31 =	simm.s32 $0x10;
	[sflag:s22] =	ssyncset.done $0x0  }
0x74: {  	s1 =	sadd.s32 $0x0, s12;
	s0 =	simm.s32 $0x4480;
	[sflag:s22] =	ssyncadd.s32 $0xFFFFC000  }
.LBB2_14:
0x75: {  	[hbm4b:s1+s2] =	stream.linear.scatter [tilespmem:s30], [sflag:$0x2], $0x40, $0x38;
	[tilespmem:$0x10400] =	vst v63  }
0x76: {  	s1 =	smov.u32 s31;
	s30 =	smov.u32 s0;
	p0 =	sne.s32 s31, $0x7F0  }
.Ltmp6:
0x77: {  	s31 =	sadd.s32 $0x10, s31;
	(pc) =	sbr.rel @p0 .LBB2_14-.Ltmp6, $2  }
0x78: {  	_ =	sdelay $0x2  }
0x79: {  	s0 =	sadd.s32 $0x80, s0;
	s1 =	sadd.s32 s1, s12  }
0x7a: {  	[hbm4b:s1+s2] =	stream.linear.scatter [tilespmem:s30], [sflag:$0x2], $0x40, $0x38;
	[tilespmem:$0x10400] =	vst v63  }
0x7b: {  	_ =	swait.ge [sflag:s15], $0x2000  }
0x7c: {  	s30 =	simm.s32 $0xC440;
	s31 =	simm.s32 $0x10;
	[sflag:s15] =	ssyncset.done $0x0  }
0x7d: {  	s1 =	sadd.s32 $0x0, s13;
	s0 =	simm.s32 $0xC4C0;
	[sflag:s15] =	ssyncadd.s32 $0xFFFFE000  }
.LBB2_16:
0x7e: {  	[hbm4b:s1+s2] =	stream.linear.scatter [tilespmem:s30], [sflag:$0x2], $0x40, $0x38;
	[tilespmem:$0x10400] =	vst v63  }
0x7f: {  	s1 =	smov.u32 s31;
	s30 =	smov.u32 s0;
	p0 =	sne.s32 s31, $0x7F0  }
.Ltmp7:
0x80: {  	s31 =	sadd.s32 $0x10, s31;
	(pc) =	sbr.rel @p0 .LBB2_16-.Ltmp7, $2  }
0x81: {  	_ =	sdelay $0x2  }
0x82: {  	s0 =	sadd.s32 $0x80, s0;
	s1 =	sadd.s32 s1, s13  }
0x83: {  	s29 =	sadd.s32 $0x1, s29  }
0x84: {  	p0 =	sne.s32 s29, s14  }
.Ltmp8:
0x85: {  	_ = 	snop;
	(pc) =	sbr.rel @p0 .LBB2_1-.Ltmp8, $4  }
0x86: {  	[hbm4b:s1+s2] =	stream.linear.scatter [tilespmem:s30], [sflag:$0x2], $0x40, $0x38;
	[tilespmem:$0x10400] =	vst v63  }
0x87: {  	_ =	swait.ge [sflag:s15], $0x2000  }
0x88: {  	[sflag:s15] =	ssyncset.done $0x0  }
0x89: {  	[sflag:s15] =	ssyncadd.s32 $0xFFFFE000  }
0x8a: {  	_ =	sfence.sel $0x180000  }
0x8b: {  	[bflag:$0x0] =	sbarrier.arrive $0xFFFF  }
0x8c: {  	_ =	strace $0x90000047  }
0x8d: {  	s0 =	stileid.u32;
	[bflag:$0x2] =	sbarrier.arrive $0xFFFF  }
0x8e: {  	p0 =	sne.s32 s0, $0x0;
	s0 =	rddreg [dreg:$0x3]  }
0x8f: {  	s0 =	sadd.s32 @!p0 $0x100000, s0  }
0x90: {  	[sflag:s0] =	ssyncadd.tile.s32 @!p0 $0x1;
	_ =	shalt  }
.Lfunc_end2:
_tile_overlayer_lowered:
.L_overlay_start_2:
0x91: {  	(tag) =	ssettag $0x2  }
0x92: {  	s0 =	rddreg [dreg:$0x0];
	s2 =	stileid.u32  }
0x93: {  	s1 =	rddreg [dreg:$0x1];
	p0 =	sne.s32 s2, $0x0  }
0x94: {  	s3 =	rddreg [dreg:$0x2];
	[bflag:$0x3] =	sbarrier.arrive $0xFFFF;
	s2 =	simm.s32 @!p0 $0x1C02  }
0x95: {  	[timem:s3], [sflag:s2] =	dma.local @!p0 [hbm:s0], s1  }
0x96: {  	s0 =	simm.s32 @!p0 $0x2  }
0x97: {  	_ =	swait.ge @!p0 [sflag:s0], s1  }
0x98: {  	s1 =	ssub.s32 @!p0 $0x0, s1;
	[sflag:s0] =	ssyncset.done @!p0 $0x0  }
0x99: {  	[sflag:s0] =	ssyncadd.s32 @!p0 s1  }
0x9a: {  	[bflag:$0x3] =	sbarrier.arrive $0xFFFF  }
0x9b: {  	_ =	shalt  }

</sc_bundles>
